<compile_context>
chip_gen: v7x
topology: tpu7x:2x2x1
jax: 0.10.2.dev20260603
libtpu: 0.0.44.dev20260713+nightly
codegen_flags: <defaults>
</compile_context>

<pallas_src>
import functools

import jax
import jax.numpy as jnp
from jax import lax
from jax.experimental import pallas as pl
from jax.experimental.pallas import tpu as pltpu
from jax.experimental.pallas import tpu_sc as plsc

N = 10000
E = 320000
B = 256
V = 128
EIN = 16
U = 3
H = 128
D_NODE = V + H + U
D_PAD = 384

F32 = jnp.float32
_DN0 = (((0,), (0,)), ((), ()))


def _dot(a, b):
    return jnp.dot(a, b, preferred_element_type=F32)


def _pre_body(x_ref, up_ref, b2d_ref, w1aT_ref, w1bT_ref, w1dT_ref, b1_ref,
              xa_ref, xb_ref, st_ref):
    ua = _dot(up_ref[...], w1dT_ref[...])
    giota = lax.broadcasted_iota(jnp.int32, (N, B), 1)
    oh = (b2d_ref[...] == giota).astype(F32)
    ubn = _dot(oh, ua)
    xa_ref[...] = _dot(x_ref[...], w1aT_ref[...]) + ubn + b1_ref[...]
    xb_ref[...] = _dot(x_ref[...], w1bT_ref[...])
    lt = (b2d_ref[...] < giota).astype(F32)
    st_ref[...] = _dot(jnp.ones((1, N), F32), lt)


def _precompute(x, u_pad, batch2d, w1aT, w1bT, w1dT_pad, b1row):
    return pl.pallas_call(
        _pre_body,
        out_shape=(jax.ShapeDtypeStruct((N, H), F32),
                   jax.ShapeDtypeStruct((N, H), F32),
                   jax.ShapeDtypeStruct((1, B), F32)),
    )(x, u_pad, batch2d, w1aT, w1bT, w1dT_pad, b1row)


_NC = 2
_NS = 16
_NW = _NC * _NS
_EW = E // _NW
_CH = 80
_NCH = _EW // _CH


def _gather_body(xa_hbm, xb_hbm, row_hbm, col_hbm, xs_hbm,
                 idxr, idxc, bufa, sema):
    wid = lax.axis_index("s") * _NC + lax.axis_index("c")

    def chunk(i, carry):
        base = wid * _EW + i * _CH
        pltpu.sync_copy(row_hbm.at[pl.ds(base, _CH)], idxr)
        pltpu.sync_copy(col_hbm.at[pl.ds(base, _CH)], idxc)
        ca = pltpu.async_copy(xa_hbm.at[idxr], bufa, sema)
        ca.wait()
        pltpu.sync_copy(xb_hbm.at[idxc], bufa, add=True)
        pltpu.sync_copy(bufa, xs_hbm.at[pl.ds(base, _CH)])
        return carry

    lax.fori_loop(0, _NCH, chunk, 0)


def _sc_gather(xa2, xb2, row, col):
    mesh = plsc.VectorSubcoreMesh(core_axis_name="c", subcore_axis_name="s")
    fn = pl.kernel(
        _gather_body,
        out_type=jax.ShapeDtypeStruct((E, H), F32),
        mesh=mesh,
        scratch_types=[
            pltpu.VMEM((_CH,), jnp.int32),
            pltpu.VMEM((_CH,), jnp.int32),
            pltpu.VMEM((_CH, H), F32),
            pltpu.SemaphoreType.DMA,
        ],
    )
    return fn(xa2, xb2, row, col)


_BE = 2000
_NBE = E // _BE


def _edge_body(xs_ref, ea_ref, col_ref, st_ref, w1cT_ref, w2T_ref,
               b2_ref, out_ref, cum_ref):
    i = pl.program_id(0)

    @pl.when(i == 0)
    def _():
        cum_ref[...] = jnp.zeros_like(cum_ref)

    pre = xs_ref[...] + _dot(ea_ref[...], w1cT_ref[...])
    h = jnp.maximum(pre, 0.0)
    out_ref[...] = _dot(h, w2T_ref[...]) + b2_ref[...]

    colf = col_ref[...].astype(F32)
    ge = (colf >= st_ref[...]).astype(F32)
    cum_ref[...] += _dot(jnp.ones((1, _BE), F32), ge)


def _edge_mlp(xs, edge_attr, col2d, starts, w1cT, w2T, b2row):
    const = pl.BlockSpec((1, H), lambda i: (0, 0))
    return pl.pallas_call(
        _edge_body,
        grid=(_NBE,),
        in_specs=[
            pl.BlockSpec((_BE, H), lambda i: (i, 0)),
            pl.BlockSpec((_BE, EIN), lambda i: (i, 0)),
            pl.BlockSpec((_BE, 1), lambda i: (i, 0)),
            pl.BlockSpec((1, B), lambda i: (0, 0)),
            pl.BlockSpec((EIN, H), lambda i: (0, 0)),
            pl.BlockSpec((H, H), lambda i: (0, 0)),
            const,
        ],
        out_specs=(pl.BlockSpec((_BE, H), lambda i: (i, 0)),
                   pl.BlockSpec((1, B), lambda i: (0, 0))),
        out_shape=(jax.ShapeDtypeStruct((E, H), F32),
                   jax.ShapeDtypeStruct((1, B), F32)),
    )(xs, edge_attr, col2d, starts, w1cT, w2T, b2row)


_ES2 = E // _NS
_NCH2 = _ES2 // _CH
_NR = N // _NC
_NRP = 5200
_ZCH = 200
_NZ = _NRP // _ZCH
_NW0 = _NR // _ZCH


def _scatter_body(en_hbm, col_hbm, agg_hbm, idx, rows, stage, acc):
    c = lax.axis_index("c")
    s = lax.axis_index("s")
    lo = c * _NR
    z16 = jnp.zeros((16,), F32)

    def _fill_stage(val):
        def zrow(r, carry):
            for j in range(8):
                stage[r, pl.ds(16 * j, 16)] = val
            return carry
        lax.fori_loop(0, _ZCH, zrow, 0)

    def _zero_acc():
        for k in range(-(-_NZ // _NS)):
            j = s + k * _NS

            @pl.when(j < _NZ)
            def _():
                pltpu.sync_copy(stage, acc.at[pl.ds(j * _ZCH, _ZCH)])

    def _scatter():
        def chunk(i, carry):
            base = s * _ES2 + i * _CH
            pltpu.sync_copy(col_hbm.at[pl.ds(base, _CH)], idx)
            pltpu.sync_copy(en_hbm.at[pl.ds(base, _CH)], rows)
            for j in range(_CH // 16):
                v = idx[pl.ds(16 * j, 16)] - lo
                ok = (v >= 0) & (v < _NR)
                idx[pl.ds(16 * j, 16)] = jnp.where(ok, v, _NR)
            pltpu.sync_copy(rows, acc.at[idx], add=True)
            return carry
        lax.fori_loop(0, _NCH2, chunk, 0)

    def _writeout(dst_hbm):
        for k in range(-(-_NW0 // _NS)):
            j = s + k * _NS

            @pl.when(j < _NW0)
            def _():
                pltpu.sync_copy(acc.at[pl.ds(j * _ZCH, _ZCH)], stage)
                pltpu.sync_copy(stage, dst_hbm.at[pl.ds(lo + j * _ZCH, _ZCH)])

    _fill_stage(z16)
    _zero_acc()
    plsc.subcore_barrier()
    _scatter()
    plsc.subcore_barrier()
    _writeout(agg_hbm)


def _sc_scatter(e_new, col):
    mesh = plsc.VectorSubcoreMesh(core_axis_name="c", subcore_axis_name="s")
    fn = pl.kernel(
        _scatter_body,
        out_type=jax.ShapeDtypeStruct((N, H), F32),
        mesh=mesh,
        scratch_types=[
            pltpu.VMEM((_CH,), jnp.int32),
            pltpu.VMEM((_CH, H), F32),
            pltpu.VMEM((_ZCH, H), F32),
            pltpu.VMEM_SHARED((_NRP, H), F32),
        ],
    )
    return fn(e_new, col)


_BN = 2000
_NBN = N // _BN


def _node_body(x_ref, agg_ref, cum_ref, b2d_ref, up_ref,
               lng_ref, lnb_ref, mkT_ref, mv_ref,
               nw1T_ref, nb1_ref, nw2T_ref, nb2_ref,
               g1uT_ref, g1nT_ref, g1eT_ref, gb1_ref, gw2T_ref, gb2_ref,
               xn_ref, un_ref,
               ns_ref, nc_ref, es_ref):
    i = pl.program_id(0)

    @pl.when(i == 0)
    def _():
        ns_ref[...] = jnp.zeros_like(ns_ref)
        nc_ref[...] = jnp.zeros_like(nc_ref)
        es_ref[...] = jnp.zeros_like(es_ref)

    xb = x_ref[...]
    aggb = agg_ref[...]
    oh = (b2d_ref[...] == lax.broadcasted_iota(jnp.int32, (_BN, B), 1)
          ).astype(F32)
    ub = _dot(oh, up_ref[...])
    out = jnp.concatenate([xb, aggb, ub], axis=1)
    s1 = jnp.sum(out, axis=1, keepdims=True)
    mu = s1 * (1.0 / D_NODE)
    s2 = jnp.sum(out * out, axis=1, keepdims=True)
    var = s2 * (1.0 / D_NODE) - mu * mu
    r = lax.rsqrt(var + 1e-5)
    outn = (out - mu) * r * lng_ref[...] + lnb_ref[...]
    sc = _dot(outn, mkT_ref[...])
    m = jnp.max(sc, axis=1, keepdims=True)
    ex = jnp.exp(sc - m)
    p = ex / jnp.sum(ex, axis=1, keepdims=True)
    attn = _dot(p, mv_ref[...])
    out2 = 0.5 * attn + 0.5 * outn
    hn = jnp.maximum(_dot(out2, nw1T_ref[...]) + nb1_ref[...], 0.0)
    xn = _dot(hn, nw2T_ref[...]) + nb2_ref[...]
    xn_ref[...] = xn

    ones = jnp.ones((_BN, H), F32)
    ns_ref[...] += lax.dot_general(oh, xn, _DN0, preferred_element_type=F32)
    nc_ref[...] += lax.dot_general(oh, ones, _DN0, preferred_element_type=F32)
    es_ref[...] += lax.dot_general(oh, aggb, _DN0, preferred_element_type=F32)

    @pl.when(i == _NBN - 1)
    def _():
        cum = cum_ref[...]
        i0 = lax.broadcasted_iota(jnp.int32, (B, B), 0)
        i1 = lax.broadcasted_iota(jnp.int32, (B, B), 1)
        dm = (i1 == i0).astype(F32) - (i1 == i0 + 1).astype(F32)
        ec = lax.dot_general(dm, cum, (((1,), (1,)), ((), ())),
                             preferred_element_type=F32)
        na = ns_ref[...] / jnp.maximum(nc_ref[...], 1.0)
        eg = es_ref[...] / jnp.maximum(ec, 1.0)
        hg = jnp.maximum(_dot(up_ref[...], g1uT_ref[...]) + _dot(na, g1nT_ref[...])
                         + _dot(eg, g1eT_ref[...]) + gb1_ref[...], 0.0)
        un_ref[...] = _dot(hg, gw2T_ref[...]) + gb2_ref[...]


def _node_global(x, agg, cum, batch2d, u_pad, lng_pad, lnb_pad, mkT_pad,
                 mv_pad, nw1T_pad, nb1row, nw2T, nb2row,
                 g1uT_pad, g1nT, g1eT, gb1row, gw2T, gb2row):
    cw = lambda shape: pl.BlockSpec(shape, lambda i: tuple(0 for _ in shape))
    return pl.pallas_call(
        _node_body,
        grid=(_NBN,),
        in_specs=[
            pl.BlockSpec((_BN, H), lambda i: (i, 0)),
            pl.BlockSpec((_BN, H), lambda i: (i, 0)),
            cw((1, B)),
            pl.BlockSpec((_BN, 1), lambda i: (i, 0)),
            cw((B, H)),
            cw((1, D_PAD)), cw((1, D_PAD)),
            cw((D_PAD, H)), cw((H, D_PAD)),
            cw((D_PAD, H)), cw((1, H)), cw((H, H)), cw((1, H)),
            cw((H, H)), cw((H, H)), cw((H, H)), cw((1, H)),
            cw((H, H)), cw((1, H)),
        ],
        out_specs=(
            pl.BlockSpec((_BN, H), lambda i: (i, 0)),
            pl.BlockSpec((B, H), lambda i: (0, 0)),
        ),
        out_shape=(jax.ShapeDtypeStruct((N, H), F32),
                   jax.ShapeDtypeStruct((B, H), F32)),
        scratch_shapes=[
            pltpu.VMEM((B, H), F32),
            pltpu.VMEM((B, H), F32),
            pltpu.VMEM((B, H), F32),
        ],
    )(x, agg, cum, batch2d, u_pad, lng_pad, lnb_pad, mkT_pad, mv_pad,
      nw1T_pad, nb1row, nw2T, nb2row, g1uT_pad, g1nT, g1eT, gb1row, gw2T,
      gb2row)


def kernel(x, edge_index, edge_attr, u, batch,
           e_w1, e_b1, e_w2, e_b2, ln_g, ln_b, Mk, Mv,
           n_w1, n_b1, n_w2, n_b2, g_w1, g_b1, g_w2, g_b2):
    row = edge_index[0]
    col = edge_index[1]
    batch2d = batch.reshape(N, 1)

    w1aT = e_w1[:, :V].T
    w1bT = e_w1[:, V:2 * V].T
    w1cT = e_w1[:, 2 * V:2 * V + EIN].T
    w1dT_pad = jnp.zeros((H, H), F32).at[:U].set(e_w1[:, 2 * V + EIN:].T)
    u_pad = jnp.zeros((B, H), F32).at[:, :U].set(u)
    b1row = e_b1.reshape(1, H)
    w2T = e_w2.T
    b2row = e_b2.reshape(1, H)

    lng_pad = jnp.zeros((1, D_PAD), F32).at[0, :D_NODE].set(ln_g)
    lnb_pad = jnp.zeros((1, D_PAD), F32).at[0, :D_NODE].set(ln_b)
    mkT_pad = jnp.zeros((D_PAD, H), F32).at[:D_NODE].set(Mk.T)
    mv_pad = jnp.zeros((H, D_PAD), F32).at[:, :D_NODE].set(Mv)
    nw1T_pad = jnp.zeros((D_PAD, H), F32).at[:D_NODE].set(n_w1.T)
    nb1row = n_b1.reshape(1, H)
    nw2T = n_w2.T
    nb2row = n_b2.reshape(1, H)
    g1uT_pad = jnp.zeros((H, H), F32).at[:U].set(g_w1[:, :U].T)
    g1nT = g_w1[:, U:U + H].T
    g1eT = g_w1[:, U + H:].T
    gb1row = g_b1.reshape(1, H)
    gw2T = g_w2.T
    gb2row = g_b2.reshape(1, H)

    xa2, xb2, starts = _precompute(x, u_pad, batch2d, w1aT, w1bT, w1dT_pad,
                                   b1row)
    xs = _sc_gather(xa2, xb2, row, col)
    e_new, cum = _edge_mlp(xs, edge_attr, col.reshape(E, 1), starts,
                           w1cT, w2T, b2row)
    agg = _sc_scatter(e_new, col)
    x_new, u_new = _node_global(
        x, agg, cum, batch2d, u_pad,
        lng_pad, lnb_pad, mkT_pad, mv_pad, nw1T_pad, nb1row, nw2T, nb2row,
        g1uT_pad, g1nT, g1eT, gb1row, gw2T, gb2row)
    return (x_new, e_new, u_new)

# --- scband reference (transcript-rebuilt; emitter-appended) ---
"""Pipeline reference for scband-ghgeat-wo-88072599372334 (READ-ONLY COPY).

The authoritative reference and input builder live on the scoring server;
editing this copy changes nothing except your own understanding.
"""

import jax, jax.numpy as jnp
import numpy as np

N = 10000; E = 320000; B = 256
V = 128; EIN = 16; U = 3; H = 128; MEM = 128

def _init_linear(key, out_f, in_f):
    kw, kb = jax.random.split(key)
    lim = 1.0 / np.sqrt(in_f)
    W = jax.random.uniform(kw, (out_f, in_f), jnp.float32, -lim, lim)
    b = jax.random.uniform(kb, (out_f,), jnp.float32, -lim, lim)
    return W, b

def setup_inputs(seed: int = 0):
    key = jax.random.key(seed)
    ks = jax.random.split(key, 16)
    x = jax.random.normal(ks[0], (N, V), jnp.float32)
    edge_index = jax.random.randint(ks[1], (2, E), 0, N)
    edge_attr = jax.random.normal(ks[2], (E, EIN), jnp.float32)
    u = jax.random.normal(ks[3], (B, U), jnp.float32)
    batch = jnp.sort(jax.random.randint(ks[4], (N,), 0, B))
    D_edge_in = 2 * V + EIN + U
    D_node = V + H + U
    e_w1, e_b1 = _init_linear(ks[5], H, D_edge_in)
    e_w2, e_b2 = _init_linear(ks[6], H, H)
    ln_g = jnp.ones((D_node,), jnp.float32)
    ln_b = jnp.zeros((D_node,), jnp.float32)
    Mk = jax.random.normal(ks[7], (MEM, D_node), jnp.float32)
    Mv = jax.random.normal(ks[8], (MEM, D_node), jnp.float32)
    n_w1, n_b1 = _init_linear(ks[9], H, D_node)
    n_w2, n_b2 = _init_linear(ks[10], H, H)
    g_w1, g_b1 = _init_linear(ks[11], H, H + H + U)
    g_w2, g_b2 = _init_linear(ks[12], H, H)
    return {"x": x, "edge_index": edge_index, "edge_attr": edge_attr, "u": u, "batch": batch,
            "e_w1": e_w1, "e_b1": e_b1, "e_w2": e_w2, "e_b2": e_b2,
            "ln_g": ln_g, "ln_b": ln_b, "Mk": Mk, "Mv": Mv,
            "n_w1": n_w1, "n_b1": n_b1, "n_w2": n_w2, "n_b2": n_b2,
            "g_w1": g_w1, "g_b1": g_b1, "g_w2": g_w2, "g_b2": g_b2}

def reference(x, edge_index, edge_attr, u, batch,
              e_w1, e_b1, e_w2, e_b2, ln_g, ln_b, Mk, Mv,
              n_w1, n_b1, n_w2, n_b2, g_w1, g_b1, g_w2, g_b2):
    row = edge_index[0]
    col = edge_index[1]
    # EdgeModel: cat([src, dest, edge_attr, u[batch[row]]]) -> MLP
    e_in = jnp.concatenate([x[row], x[col], edge_attr, u[batch[row]]], axis=1)
    h = jnp.maximum(e_in @ e_w1.T + e_b1, 0.0)
    e_new = h @ e_w2.T + e_b2
    # NodeModel: scatter_add over dst, cat, LayerNorm, external attention, MLP
    agg = jax.ops.segment_sum(e_new, col, num_segments=N)
    out = jnp.concatenate([x, agg, u[batch]], axis=1)
    mu = out.mean(axis=-1, keepdims=True)
    var = ((out - mu) ** 2).mean(axis=-1, keepdims=True)
    out = (out - mu) / jnp.sqrt(var + 1e-5) * ln_g + ln_b
    attn = jax.nn.softmax(out @ Mk.T, axis=-1) @ Mv
    out = 0.5 * attn + 0.5 * out
    hn = jnp.maximum(out @ n_w1.T + n_b1, 0.0)
    x_new = hn @ n_w2.T + n_b2
    # GlobalModel: scatter_mean of nodes and edges per-graph, cat with u, MLP
    node_cnt = jnp.maximum(jax.ops.segment_sum(jnp.ones((N,), jnp.float32), batch, num_segments=B), 1.0)
    node_agg = jax.ops.segment_sum(x_new, batch, num_segments=B) / node_cnt[:, None]
    eseg = batch[col]
    edge_cnt = jnp.maximum(jax.ops.segment_sum(jnp.ones((E,), jnp.float32), eseg, num_segments=B), 1.0)
    edge_agg = jax.ops.segment_sum(e_new, eseg, num_segments=B) / edge_cnt[:, None]
    gin = jnp.concatenate([u, node_agg, edge_agg], axis=1)
    hg = jnp.maximum(gin @ g_w1.T + g_b1, 0.0)
    u_new = hg @ g_w2.T + g_b2
    return (x_new, e_new, u_new)

if __name__ == "__main__":
    import jax
    _d = setup_inputs()
    print(jax.jit(kernel)(*tuple(_d.values())))

</pallas_src>

<mosaic_0001>
#map = affine_map<(d0, d1) -> (0, 0)>
#map1 = affine_map<(d0, d1) -> (0)>
module attributes {stable_mosaic.version = 14 : i64} {
  func.func @_scatter_body(%arg0: i32, %arg1: i32, %arg2: memref<320000x128xf32, #tpu.memory_space<hbm>>, %arg3: memref<320000xi32, #tpu.memory_space<hbm>>, %arg4: memref<10000x128xf32, #tpu.memory_space<hbm>>, %arg5: memref<80xi32, #tpu.memory_space<vmem>>, %arg6: memref<80x128xf32, #tpu.memory_space<vmem>>, %arg7: memref<200x128xf32, #tpu.memory_space<vmem>>, %arg8: memref<5200x128xf32, #tpu.memory_space<vmem_shared>>) attributes {dimension_semantics = [#tpu.dimension_semantics<core_parallel>, #tpu.dimension_semantics<subcore_parallel>], iteration_bounds = array<i64: 2, 16>, scalar_prefetch = 0 : i64, scratch_operands = 4 : i64, tpu.core_type = #tpu.core_type<sc_vector_subcore>, window_params = [{transform_indices = #map}, {transform_indices = #map1}, {transform_indices = #map}]} {
    %mul3A = arith.constant 5000 : i32
    %mul3A_0 = arith.muli %arg0, %mul3A : i32
    %broadcast_in_dim3A = arith.constant 0.000000e+00 : f32
    %broadcast_in_dim3A_1 = vector.broadcast %broadcast_in_dim3A : f32 to vector<16xf32>
    %scan3A = arith.constant 0 : i32
    %scan3A_2 = arith.constant 0 : i32
    %scan3A_3 = arith.constant 200 : i32
    %scan3A_4 = arith.addi %scan3A_2, %scan3A_3 : i32
    %scan3A_5 = arith.constant 1 : i32
    scf.for %scan3A_38 = %scan3A_2 to %scan3A_4 step %scan3A_5  : i32 {
      %swap3A = arith.index_cast %scan3A_38 : i32 to index
      %swap3A_39 = arith.constant 0 : index
      %swap3A_40 = tpu.vector_load %arg7[%swap3A, %swap3A_39] {strides = array<i32>} : memref<200x128xf32, #tpu.memory_space<vmem>>, vector<1x16xf32>,
      %swap3A_41 = vector.shape_cast %swap3A_40 : vector<1x16xf32> to vector<16xf32>
      %swap3A_42 = vector.shape_cast %broadcast_in_dim3A_1 : vector<16xf32> to vector<1x16xf32>
      tpu.vector_store %arg7[%swap3A, %swap3A_39], %swap3A_42 {strides = array<i32>} : memref<200x128xf32, #tpu.memory_space<vmem>>, vector<1x16xf32>,
      %swap3A_43 = arith.index_cast %scan3A_38 : i32 to index
      %swap3A_44 = arith.constant 16 : index
      %swap3A_45 = tpu.vector_load %arg7[%swap3A_43, %swap3A_44] {strides = array<i32>} : memref<200x128xf32, #tpu.memory_space<vmem>>, vector<1x16xf32>,
      %swap3A_46 = vector.shape_cast %swap3A_45 : vector<1x16xf32> to vector<16xf32>
      %swap3A_47 = vector.shape_cast %broadcast_in_dim3A_1 : vector<16xf32> to vector<1x16xf32>
      tpu.vector_store %arg7[%swap3A_43, %swap3A_44], %swap3A_47 {strides = array<i32>} : memref<200x128xf32, #tpu.memory_space<vmem>>, vector<1x16xf32>,
      %swap3A_48 = arith.index_cast %scan3A_38 : i32 to index
      %swap3A_49 = arith.constant 32 : index
      %swap3A_50 = tpu.vector_load %arg7[%swap3A_48, %swap3A_49] {strides = array<i32>} : memref<200x128xf32, #tpu.memory_space<vmem>>, vector<1x16xf32>,
      %swap3A_51 = vector.shape_cast %swap3A_50 : vector<1x16xf32> to vector<16xf32>
      %swap3A_52 = vector.shape_cast %broadcast_in_dim3A_1 : vector<16xf32> to vector<1x16xf32>
      tpu.vector_store %arg7[%swap3A_48, %swap3A_49], %swap3A_52 {strides = array<i32>} : memref<200x128xf32, #tpu.memory_space<vmem>>, vector<1x16xf32>,
      %swap3A_53 = arith.index_cast %scan3A_38 : i32 to index
      %swap3A_54 = arith.constant 48 : index
      %swap3A_55 = tpu.vector_load %arg7[%swap3A_53, %swap3A_54] {strides = array<i32>} : memref<200x128xf32, #tpu.memory_space<vmem>>, vector<1x16xf32>,
      %swap3A_56 = vector.shape_cast %swap3A_55 : vector<1x16xf32> to vector<16xf32>
      %swap3A_57 = vector.shape_cast %broadcast_in_dim3A_1 : vector<16xf32> to vector<1x16xf32>
      tpu.vector_store %arg7[%swap3A_53, %swap3A_54], %swap3A_57 {strides = array<i32>} : memref<200x128xf32, #tpu.memory_space<vmem>>, vector<1x16xf32>,
      %swap3A_58 = arith.index_cast %scan3A_38 : i32 to index
      %swap3A_59 = arith.constant 64 : index
      %swap3A_60 = tpu.vector_load %arg7[%swap3A_58, %swap3A_59] {strides = array<i32>} : memref<200x128xf32, #tpu.memory_space<vmem>>, vector<1x16xf32>,
      %swap3A_61 = vector.shape_cast %swap3A_60 : vector<1x16xf32> to vector<16xf32>
      %swap3A_62 = vector.shape_cast %broadcast_in_dim3A_1 : vector<16xf32> to vector<1x16xf32>
      tpu.vector_store %arg7[%swap3A_58, %swap3A_59], %swap3A_62 {strides = array<i32>} : memref<200x128xf32, #tpu.memory_space<vmem>>, vector<1x16xf32>,
      %swap3A_63 = arith.index_cast %scan3A_38 : i32 to index
      %swap3A_64 = arith.constant 80 : index
      %swap3A_65 = tpu.vector_load %arg7[%swap3A_63, %swap3A_64] {strides = array<i32>} : memref<200x128xf32, #tpu.memory_space<vmem>>, vector<1x16xf32>,
      %swap3A_66 = vector.shape_cast %swap3A_65 : vector<1x16xf32> to vector<16xf32>
      %swap3A_67 = vector.shape_cast %broadcast_in_dim3A_1 : vector<16xf32> to vector<1x16xf32>
      tpu.vector_store %arg7[%swap3A_63, %swap3A_64], %swap3A_67 {strides = array<i32>} : memref<200x128xf32, #tpu.memory_space<vmem>>, vector<1x16xf32>,
      %swap3A_68 = arith.index_cast %scan3A_38 : i32 to index
      %swap3A_69 = arith.constant 96 : index
      %swap3A_70 = tpu.vector_load %arg7[%swap3A_68, %swap3A_69] {strides = array<i32>} : memref<200x128xf32, #tpu.memory_space<vmem>>, vector<1x16xf32>,
      %swap3A_71 = vector.shape_cast %swap3A_70 : vector<1x16xf32> to vector<16xf32>
      %swap3A_72 = vector.shape_cast %broadcast_in_dim3A_1 : vector<16xf32> to vector<1x16xf32>
      tpu.vector_store %arg7[%swap3A_68, %swap3A_69], %swap3A_72 {strides = array<i32>} : memref<200x128xf32, #tpu.memory_space<vmem>>, vector<1x16xf32>,
      %swap3A_73 = arith.index_cast %scan3A_38 : i32 to index
      %swap3A_74 = arith.constant 112 : index
      %swap3A_75 = tpu.vector_load %arg7[%swap3A_73, %swap3A_74] {strides = array<i32>} : memref<200x128xf32, #tpu.memory_space<vmem>>, vector<1x16xf32>,
      %swap3A_76 = vector.shape_cast %swap3A_75 : vector<1x16xf32> to vector<16xf32>
      %swap3A_77 = vector.shape_cast %broadcast_in_dim3A_1 : vector<16xf32> to vector<1x16xf32>
      tpu.vector_store %arg7[%swap3A_73, %swap3A_74], %swap3A_77 {strides = array<i32>} : memref<200x128xf32, #tpu.memory_space<vmem>>, vector<1x16xf32>,
    }
    %scan3A_6 = arith.constant 200 : i32
    %add3A = arith.constant 0 : i32
    %add3A_7 = arith.addi %arg1, %add3A : i32
    %lt3A = arith.constant 26 : i32
    %lt3A_8 = arith.cmpi slt, %add3A_7, %lt3A : i32
    %convert_element_type3A = arith.extui %lt3A_8 : i1 to i32
    %cond3A = arith.constant 0 : i32
    %cond3A_9 = arith.cmpi ne, %convert_element_type3A, %cond3A : i32
    scf.if %cond3A_9 {
      %mul3A_38 = arith.constant 200 : i32
      %mul3A_39 = arith.muli %add3A_7, %mul3A_38 : i32
      "tpu.region"() ({
        %run_scoped3A = tpu.sem_alloc : memref<!tpu.dma_semaphore, #tpu.memory_space<semaphore_mem>>
        %dma_start3A = arith.constant 0 : i32
        %dma_start3A_40 = tpu.memref_slice %arg8[%mul3A_39, %dma_start3A] : memref<5200x128xf32, #tpu.memory_space<vmem_shared>> -> memref<200x128xf32, #tpu.memory_space<vmem_shared>>
        %dma_start3A_41 = arith.constant 0 : i32
        %dma_start3A_42 = tpu.memref_slice %arg8[%mul3A_39, %dma_start3A_41] : memref<5200x128xf32, #tpu.memory_space<vmem_shared>> -> memref<200x128xf32, #tpu.memory_space<vmem_shared>>
        tpu.enqueue_dma source(%arg7 : memref<200x128xf32, #tpu.memory_space<vmem>>) target(%dma_start3A_42 : memref<200x128xf32, #tpu.memory_space<vmem_shared>>) target_semaphore(%run_scoped3A : memref<!tpu.dma_semaphore, #tpu.memory_space<semaphore_mem>>)
        %dma_wait3A = arith.constant 0 : i32
        %dma_wait3A_43 = tpu.memref_slice %arg8[%mul3A_39, %dma_wait3A] : memref<5200x128xf32, #tpu.memory_space<vmem_shared>> -> memref<200x128xf32, #tpu.memory_space<vmem_shared>>
        %dma_wait3A_44 = arith.constant 0 : i32
        %dma_wait3A_45 = tpu.memref_slice %arg8[%mul3A_39, %dma_wait3A_44] : memref<5200x128xf32, #tpu.memory_space<vmem_shared>> -> memref<200x128xf32, #tpu.memory_space<vmem_shared>>
        tpu.wait_dma2 semaphore(%run_scoped3A : memref<!tpu.dma_semaphore, #tpu.memory_space<semaphore_mem>>) src(%arg7 : memref<200x128xf32, #tpu.memory_space<vmem>>) dst(%dma_wait3A_45 : memref<200x128xf32, #tpu.memory_space<vmem_shared>>)
        tpu.yield
      }) : () -> ()
    } else {
    }
    %add3A_10 = arith.constant 16 : i32
    %add3A_11 = arith.addi %arg1, %add3A_10 : i32
    %lt3A_12 = arith.constant 26 : i32
    %lt3A_13 = arith.cmpi slt, %add3A_11, %lt3A_12 : i32
    %convert_element_type3A_14 = arith.extui %lt3A_13 : i1 to i32
    %cond3A_15 = arith.constant 0 : i32
    %cond3A_16 = arith.cmpi ne, %convert_element_type3A_14, %cond3A_15 : i32
    scf.if %cond3A_16 {
      %mul3A_38 = arith.constant 200 : i32
      %mul3A_39 = arith.muli %add3A_11, %mul3A_38 : i32
      "tpu.region"() ({
        %run_scoped3A = tpu.sem_alloc : memref<!tpu.dma_semaphore, #tpu.memory_space<semaphore_mem>>
        %dma_start3A = arith.constant 0 : i32
        %dma_start3A_40 = tpu.memref_slice %arg8[%mul3A_39, %dma_start3A] : memref<5200x128xf32, #tpu.memory_space<vmem_shared>> -> memref<200x128xf32, #tpu.memory_space<vmem_shared>>
        %dma_start3A_41 = arith.constant 0 : i32
        %dma_start3A_42 = tpu.memref_slice %arg8[%mul3A_39, %dma_start3A_41] : memref<5200x128xf32, #tpu.memory_space<vmem_shared>> -> memref<200x128xf32, #tpu.memory_space<vmem_shared>>
        tpu.enqueue_dma source(%arg7 : memref<200x128xf32, #tpu.memory_space<vmem>>) target(%dma_start3A_42 : memref<200x128xf32, #tpu.memory_space<vmem_shared>>) target_semaphore(%run_scoped3A : memref<!tpu.dma_semaphore, #tpu.memory_space<semaphore_mem>>)
        %dma_wait3A = arith.constant 0 : i32
        %dma_wait3A_43 = tpu.memref_slice %arg8[%mul3A_39, %dma_wait3A] : memref<5200x128xf32, #tpu.memory_space<vmem_shared>> -> memref<200x128xf32, #tpu.memory_space<vmem_shared>>
        %dma_wait3A_44 = arith.constant 0 : i32
        %dma_wait3A_45 = tpu.memref_slice %arg8[%mul3A_39, %dma_wait3A_44] : memref<5200x128xf32, #tpu.memory_space<vmem_shared>> -> memref<200x128xf32, #tpu.memory_space<vmem_shared>>
        tpu.wait_dma2 semaphore(%run_scoped3A : memref<!tpu.dma_semaphore, #tpu.memory_space<semaphore_mem>>) src(%arg7 : memref<200x128xf32, #tpu.memory_space<vmem>>) dst(%dma_wait3A_45 : memref<200x128xf32, #tpu.memory_space<vmem_shared>>)
        tpu.yield
      }) : () -> ()
    } else {
    }
    %barrier3A = arith.constant 0 : index
    tpu.barrier barrier_id(%barrier3A)
    %scan3A_17 = arith.constant 0 : i32
    %scan3A_18 = arith.constant 0 : i32
    %scan3A_19 = arith.constant 250 : i32
    %scan3A_20 = arith.addi %scan3A_18, %scan3A_19 : i32
    %scan3A_21 = arith.constant 1 : i32
    scf.for %scan3A_38 = %scan3A_18 to %scan3A_20 step %scan3A_21  : i32 {
      %mul3A_39 = arith.constant 20000 : i32
      %mul3A_40 = arith.muli %arg1, %mul3A_39 : i32
      %mul3A_41 = arith.constant 80 : i32
      %mul3A_42 = arith.muli %scan3A_38, %mul3A_41 : i32
      %add3A_43 = arith.addi %mul3A_40, %mul3A_42 : i32
      "tpu.region"() ({
        %run_scoped3A = tpu.sem_alloc : memref<!tpu.dma_semaphore, #tpu.memory_space<semaphore_mem>>
        %dma_start3A = tpu.memref_slice %arg3[%add3A_43] : memref<320000xi32, #tpu.memory_space<hbm>> -> memref<80xi32, #tpu.memory_space<hbm>>
        %dma_start3A_132 = tpu.memref_slice %arg3[%add3A_43] : memref<320000xi32, #tpu.memory_space<hbm>> -> memref<80xi32, #tpu.memory_space<hbm>>
        tpu.enqueue_dma source(%dma_start3A_132 : memref<80xi32, #tpu.memory_space<hbm>>) target(%arg5 : memref<80xi32, #tpu.memory_space<vmem>>) target_semaphore(%run_scoped3A : memref<!tpu.dma_semaphore, #tpu.memory_space<semaphore_mem>>)
        %dma_wait3A = tpu.memref_slice %arg3[%add3A_43] : memref<320000xi32, #tpu.memory_space<hbm>> -> memref<80xi32, #tpu.memory_space<hbm>>
        %dma_wait3A_133 = tpu.memref_slice %arg3[%add3A_43] : memref<320000xi32, #tpu.memory_space<hbm>> -> memref<80xi32, #tpu.memory_space<hbm>>
        tpu.wait_dma2 semaphore(%run_scoped3A : memref<!tpu.dma_semaphore, #tpu.memory_space<semaphore_mem>>) src(%dma_wait3A_133 : memref<80xi32, #tpu.memory_space<hbm>>) dst(%arg5 : memref<80xi32, #tpu.memory_space<vmem>>)
        tpu.yield
      }) : () -> ()
      "tpu.region"() ({
        %run_scoped3A = tpu.sem_alloc : memref<!tpu.dma_semaphore, #tpu.memory_space<semaphore_mem>>
        %dma_start3A = arith.constant 0 : i32
        %dma_start3A_132 = tpu.memref_slice %arg2[%add3A_43, %dma_start3A] : memref<320000x128xf32, #tpu.memory_space<hbm>> -> memref<80x128xf32, #tpu.memory_space<hbm>>
        %dma_start3A_133 = arith.constant 0 : i32
        %dma_start3A_134 = tpu.memref_slice %arg2[%add3A_43, %dma_start3A_133] : memref<320000x128xf32, #tpu.memory_space<hbm>> -> memref<80x128xf32, #tpu.memory_space<hbm>>
        tpu.enqueue_dma source(%dma_start3A_134 : memref<80x128xf32, #tpu.memory_space<hbm>>) target(%arg6 : memref<80x128xf32, #tpu.memory_space<vmem>>) target_semaphore(%run_scoped3A : memref<!tpu.dma_semaphore, #tpu.memory_space<semaphore_mem>>)
        %dma_wait3A = arith.constant 0 : i32
        %dma_wait3A_135 = tpu.memref_slice %arg2[%add3A_43, %dma_wait3A] : memref<320000x128xf32, #tpu.memory_space<hbm>> -> memref<80x128xf32, #tpu.memory_space<hbm>>
        %dma_wait3A_136 = arith.constant 0 : i32
        %dma_wait3A_137 = tpu.memref_slice %arg2[%add3A_43, %dma_wait3A_136] : memref<320000x128xf32, #tpu.memory_space<hbm>> -> memref<80x128xf32, #tpu.memory_space<hbm>>
        tpu.wait_dma2 semaphore(%run_scoped3A : memref<!tpu.dma_semaphore, #tpu.memory_space<semaphore_mem>>) src(%dma_wait3A_137 : memref<80x128xf32, #tpu.memory_space<hbm>>) dst(%arg6 : memref<80x128xf32, #tpu.memory_space<vmem>>)
        tpu.yield
      }) : () -> ()
      %get3A = arith.constant 0 : index
      %get3A_44 = tpu.vector_load %arg5[%get3A] {strides = array<i32>} : memref<80xi32, #tpu.memory_space<vmem>>, vector<16xi32>,
      %get3A_45 = vector.shape_cast %get3A_44 : vector<16xi32> to vector<16xi32>
      %sub3A = vector.broadcast %mul3A_0 : i32 to vector<16xi32>
      %sub3A_46 = arith.subi %get3A_45, %sub3A : vector<16xi32>
      %ge3A = arith.constant 0 : i32
      %ge3A_47 = vector.broadcast %ge3A : i32 to vector<16xi32>
      %ge3A_48 = arith.cmpi sge, %sub3A_46, %ge3A_47 : vector<16xi32>
      %lt3A_49 = arith.constant 5000 : i32
      %lt3A_50 = vector.broadcast %lt3A_49 : i32 to vector<16xi32>
      %lt3A_51 = arith.cmpi slt, %sub3A_46, %lt3A_50 : vector<16xi32>
      %and3A = arith.andi %ge3A_48, %lt3A_51 : vector<16xi1>
      %jit3A = arith.constant 5000 : i32
      %broadcast_in_dim3A_52 = vector.broadcast %jit3A : i32 to vector<16xi32>
      %select_n3A = arith.select %and3A, %sub3A_46, %broadcast_in_dim3A_52 : vector<16xi1>, vector<16xi32>
      %swap3A = arith.constant 0 : index
      %swap3A_53 = tpu.vector_load %arg5[%swap3A] {strides = array<i32>} : memref<80xi32, #tpu.memory_space<vmem>>, vector<16xi32>,
      %swap3A_54 = vector.shape_cast %swap3A_53 : vector<16xi32> to vector<16xi32>
      %swap3A_55 = vector.shape_cast %select_n3A : vector<16xi32> to vector<16xi32>
      tpu.vector_store %arg5[%swap3A], %swap3A_55 {strides = array<i32>} : memref<80xi32, #tpu.memory_space<vmem>>, vector<16xi32>,
      %get3A_56 = arith.constant 16 : index
      %get3A_57 = tpu.vector_load %arg5[%get3A_56] {strides = array<i32>} : memref<80xi32, #tpu.memory_space<vmem>>, vector<16xi32>,
      %get3A_58 = vector.shape_cast %get3A_57 : vector<16xi32> to vector<16xi32>
      %sub3A_59 = vector.broadcast %mul3A_0 : i32 to vector<16xi32>
      %sub3A_60 = arith.subi %get3A_58, %sub3A_59 : vector<16xi32>
      %ge3A_61 = arith.constant 0 : i32
      %ge3A_62 = vector.broadcast %ge3A_61 : i32 to vector<16xi32>
      %ge3A_63 = arith.cmpi sge, %sub3A_60, %ge3A_62 : vector<16xi32>
      %lt3A_64 = arith.constant 5000 : i32
      %lt3A_65 = vector.broadcast %lt3A_64 : i32 to vector<16xi32>
      %lt3A_66 = arith.cmpi slt, %sub3A_60, %lt3A_65 : vector<16xi32>
      %and3A_67 = arith.andi %ge3A_63, %lt3A_66 : vector<16xi1>
      %jit3A_68 = arith.constant 5000 : i32
      %broadcast_in_dim3A_69 = vector.broadcast %jit3A_68 : i32 to vector<16xi32>
      %select_n3A_70 = arith.select %and3A_67, %sub3A_60, %broadcast_in_dim3A_69 : vector<16xi1>, vector<16xi32>
      %swap3A_71 = arith.constant 16 : index
      %swap3A_72 = tpu.vector_load %arg5[%swap3A_71] {strides = array<i32>} : memref<80xi32, #tpu.memory_space<vmem>>, vector<16xi32>,
      %swap3A_73 = vector.shape_cast %swap3A_72 : vector<16xi32> to vector<16xi32>
      %swap3A_74 = vector.shape_cast %select_n3A_70 : vector<16xi32> to vector<16xi32>
      tpu.vector_store %arg5[%swap3A_71], %swap3A_74 {strides = array<i32>} : memref<80xi32, #tpu.memory_space<vmem>>, vector<16xi32>,
      %get3A_75 = arith.constant 32 : index
      %get3A_76 = tpu.vector_load %arg5[%get3A_75] {strides = array<i32>} : memref<80xi32, #tpu.memory_space<vmem>>, vector<16xi32>,
      %get3A_77 = vector.shape_cast %get3A_76 : vector<16xi32> to vector<16xi32>
      %sub3A_78 = vector.broadcast %mul3A_0 : i32 to vector<16xi32>
      %sub3A_79 = arith.subi %get3A_77, %sub3A_78 : vector<16xi32>
      %ge3A_80 = arith.constant 0 : i32
      %ge3A_81 = vector.broadcast %ge3A_80 : i32 to vector<16xi32>
      %ge3A_82 = arith.cmpi sge, %sub3A_79, %ge3A_81 : vector<16xi32>
      %lt3A_83 = arith.constant 5000 : i32
      %lt3A_84 = vector.broadcast %lt3A_83 : i32 to vector<16xi32>
      %lt3A_85 = arith.cmpi slt, %sub3A_79, %lt3A_84 : vector<16xi32>
      %and3A_86 = arith.andi %ge3A_82, %lt3A_85 : vector<16xi1>
      %jit3A_87 = arith.constant 5000 : i32
      %broadcast_in_dim3A_88 = vector.broadcast %jit3A_87 : i32 to vector<16xi32>
      %select_n3A_89 = arith.select %and3A_86, %sub3A_79, %broadcast_in_dim3A_88 : vector<16xi1>, vector<16xi32>
      %swap3A_90 = arith.constant 32 : index
      %swap3A_91 = tpu.vector_load %arg5[%swap3A_90] {strides = array<i32>} : memref<80xi32, #tpu.memory_space<vmem>>, vector<16xi32>,
      %swap3A_92 = vector.shape_cast %swap3A_91 : vector<16xi32> to vector<16xi32>
      %swap3A_93 = vector.shape_cast %select_n3A_89 : vector<16xi32> to vector<16xi32>
      tpu.vector_store %arg5[%swap3A_90], %swap3A_93 {strides = array<i32>} : memref<80xi32, #tpu.memory_space<vmem>>, vector<16xi32>,
      %get3A_94 = arith.constant 48 : index
      %get3A_95 = tpu.vector_load %arg5[%get3A_94] {strides = array<i32>} : memref<80xi32, #tpu.memory_space<vmem>>, vector<16xi32>,
      %get3A_96 = vector.shape_cast %get3A_95 : vector<16xi32> to vector<16xi32>
      %sub3A_97 = vector.broadcast %mul3A_0 : i32 to vector<16xi32>
      %sub3A_98 = arith.subi %get3A_96, %sub3A_97 : vector<16xi32>
      %ge3A_99 = arith.constant 0 : i32
      %ge3A_100 = vector.broadcast %ge3A_99 : i32 to vector<16xi32>
      %ge3A_101 = arith.cmpi sge, %sub3A_98, %ge3A_100 : vector<16xi32>
      %lt3A_102 = arith.constant 5000 : i32
      %lt3A_103 = vector.broadcast %lt3A_102 : i32 to vector<16xi32>
      %lt3A_104 = arith.cmpi slt, %sub3A_98, %lt3A_103 : vector<16xi32>
      %and3A_105 = arith.andi %ge3A_101, %lt3A_104 : vector<16xi1>
      %jit3A_106 = arith.constant 5000 : i32
      %broadcast_in_dim3A_107 = vector.broadcast %jit3A_106 : i32 to vector<16xi32>
      %select_n3A_108 = arith.select %and3A_105, %sub3A_98, %broadcast_in_dim3A_107 : vector<16xi1>, vector<16xi32>
      %swap3A_109 = arith.constant 48 : index
      %swap3A_110 = tpu.vector_load %arg5[%swap3A_109] {strides = array<i32>} : memref<80xi32, #tpu.memory_space<vmem>>, vector<16xi32>,
      %swap3A_111 = vector.shape_cast %swap3A_110 : vector<16xi32> to vector<16xi32>
      %swap3A_112 = vector.shape_cast %select_n3A_108 : vector<16xi32> to vector<16xi32>
      tpu.vector_store %arg5[%swap3A_109], %swap3A_112 {strides = array<i32>} : memref<80xi32, #tpu.memory_space<vmem>>, vector<16xi32>,
      %get3A_113 = arith.constant 64 : index
      %get3A_114 = tpu.vector_load %arg5[%get3A_113] {strides = array<i32>} : memref<80xi32, #tpu.memory_space<vmem>>, vector<16xi32>,
      %get3A_115 = vector.shape_cast %get3A_114 : vector<16xi32> to vector<16xi32>
      %sub3A_116 = vector.broadcast %mul3A_0 : i32 to vector<16xi32>
      %sub3A_117 = arith.subi %get3A_115, %sub3A_116 : vector<16xi32>
      %ge3A_118 = arith.constant 0 : i32
      %ge3A_119 = vector.broadcast %ge3A_118 : i32 to vector<16xi32>
      %ge3A_120 = arith.cmpi sge, %sub3A_117, %ge3A_119 : vector<16xi32>
      %lt3A_121 = arith.constant 5000 : i32
      %lt3A_122 = vector.broadcast %lt3A_121 : i32 to vector<16xi32>
      %lt3A_123 = arith.cmpi slt, %sub3A_117, %lt3A_122 : vector<16xi32>
      %and3A_124 = arith.andi %ge3A_120, %lt3A_123 : vector<16xi1>
      %jit3A_125 = arith.constant 5000 : i32
      %broadcast_in_dim3A_126 = vector.broadcast %jit3A_125 : i32 to vector<16xi32>
      %select_n3A_127 = arith.select %and3A_124, %sub3A_117, %broadcast_in_dim3A_126 : vector<16xi1>, vector<16xi32>
      %swap3A_128 = arith.constant 64 : index
      %swap3A_129 = tpu.vector_load %arg5[%swap3A_128] {strides = array<i32>} : memref<80xi32, #tpu.memory_space<vmem>>, vector<16xi32>,
      %swap3A_130 = vector.shape_cast %swap3A_129 : vector<16xi32> to vector<16xi32>
      %swap3A_131 = vector.shape_cast %select_n3A_127 : vector<16xi32> to vector<16xi32>
      tpu.vector_store %arg5[%swap3A_128], %swap3A_131 {strides = array<i32>} : memref<80xi32, #tpu.memory_space<vmem>>, vector<16xi32>,
      "tpu.region"() ({
        %run_scoped3A = tpu.sem_alloc : memref<!tpu.dma_semaphore, #tpu.memory_space<semaphore_mem>>
        %dma_start3A = arith.constant 0 : i32
        %dma_start3A_132 = arith.constant 0 : i32
        %dma_start3A_133 = tpu.memref_slice %arg8[%dma_start3A, %dma_start3A_132] : memref<5200x128xf32, #tpu.memory_space<vmem_shared>> -> memref<5200x128xf32, #tpu.memory_space<vmem_shared>>
        tpu.enqueue_indirect_dma source(%arg6 : memref<80x128xf32, #tpu.memory_space<vmem>>) target(%dma_start3A_133 : memref<5200x128xf32, #tpu.memory_space<vmem_shared>>) offsets(%arg5 : memref<80xi32, #tpu.memory_space<vmem>>) semaphore(%run_scoped3A : memref<!tpu.dma_semaphore, #tpu.memory_space<semaphore_mem>>) {add = true}
        %dma_wait3A = arith.constant 0 : i32
        %dma_wait3A_134 = arith.constant 0 : i32
        %dma_wait3A_135 = tpu.memref_slice %arg8[%dma_wait3A, %dma_wait3A_134] : memref<5200x128xf32, #tpu.memory_space<vmem_shared>> -> memref<5200x128xf32, #tpu.memory_space<vmem_shared>>
        tpu.wait_indirect_dma semaphore(%run_scoped3A : memref<!tpu.dma_semaphore, #tpu.memory_space<semaphore_mem>>) src(%arg6 : memref<80x128xf32, #tpu.memory_space<vmem>>) dst(%dma_wait3A_135 : memref<5200x128xf32, #tpu.memory_space<vmem_shared>>)
        tpu.yield
      }) : () -> ()
    }
    %scan3A_22 = arith.constant 250 : i32
    %barrier3A_23 = arith.constant 0 : index
    tpu.barrier barrier_id(%barrier3A_23)
    %add3A_24 = arith.constant 0 : i32
    %add3A_25 = arith.addi %arg1, %add3A_24 : i32
    %lt3A_26 = arith.constant 25 : i32
    %lt3A_27 = arith.cmpi slt, %add3A_25, %lt3A_26 : i32
    %convert_element_type3A_28 = arith.extui %lt3A_27 : i1 to i32
    %cond3A_29 = arith.constant 0 : i32
    %cond3A_30 = arith.cmpi ne, %convert_element_type3A_28, %cond3A_29 : i32
    scf.if %cond3A_30 {
      %mul3A_38 = arith.constant 200 : i32
      %mul3A_39 = arith.muli %add3A_25, %mul3A_38 : i32
      "tpu.region"() ({
        %run_scoped3A = tpu.sem_alloc : memref<!tpu.dma_semaphore, #tpu.memory_space<semaphore_mem>>
        %dma_start3A = arith.constant 0 : i32
        %dma_start3A_43 = tpu.memref_slice %arg8[%mul3A_39, %dma_start3A] : memref<5200x128xf32, #tpu.memory_space<vmem_shared>> -> memref<200x128xf32, #tpu.memory_space<vmem_shared>>
        %dma_start3A_44 = arith.constant 0 : i32
        %dma_start3A_45 = tpu.memref_slice %arg8[%mul3A_39, %dma_start3A_44] : memref<5200x128xf32, #tpu.memory_space<vmem_shared>> -> memref<200x128xf32, #tpu.memory_space<vmem_shared>>
        tpu.enqueue_dma source(%dma_start3A_45 : memref<200x128xf32, #tpu.memory_space<vmem_shared>>) target(%arg7 : memref<200x128xf32, #tpu.memory_space<vmem>>) target_semaphore(%run_scoped3A : memref<!tpu.dma_semaphore, #tpu.memory_space<semaphore_mem>>)
        %dma_wait3A = arith.constant 0 : i32
        %dma_wait3A_46 = tpu.memref_slice %arg8[%mul3A_39, %dma_wait3A] : memref<5200x128xf32, #tpu.memory_space<vmem_shared>> -> memref<200x128xf32, #tpu.memory_space<vmem_shared>>
        %dma_wait3A_47 = arith.constant 0 : i32
        %dma_wait3A_48 = tpu.memref_slice %arg8[%mul3A_39, %dma_wait3A_47] : memref<5200x128xf32, #tpu.memory_space<vmem_shared>> -> memref<200x128xf32, #tpu.memory_space<vmem_shared>>
        tpu.wait_dma2 semaphore(%run_scoped3A : memref<!tpu.dma_semaphore, #tpu.memory_space<semaphore_mem>>) src(%dma_wait3A_48 : memref<200x128xf32, #tpu.memory_space<vmem_shared>>) dst(%arg7 : memref<200x128xf32, #tpu.memory_space<vmem>>)
        tpu.yield
      }) : () -> ()
      %mul3A_40 = arith.constant 200 : i32
      %mul3A_41 = arith.muli %add3A_25, %mul3A_40 : i32
      %add3A_42 = arith.addi %mul3A_0, %mul3A_41 : i32
      "tpu.region"() ({
        %run_scoped3A = tpu.sem_alloc : memref<!tpu.dma_semaphore, #tpu.memory_space<semaphore_mem>>
        %dma_start3A = arith.constant 0 : i32
        %dma_start3A_43 = tpu.memref_slice %arg4[%add3A_42, %dma_start3A] : memref<10000x128xf32, #tpu.memory_space<hbm>> -> memref<200x128xf32, #tpu.memory_space<hbm>>
        %dma_start3A_44 = arith.constant 0 : i32
        %dma_start3A_45 = tpu.memref_slice %arg4[%add3A_42, %dma_start3A_44] : memref<10000x128xf32, #tpu.memory_space<hbm>> -> memref<200x128xf32, #tpu.memory_space<hbm>>
        tpu.enqueue_dma source(%arg7 : memref<200x128xf32, #tpu.memory_space<vmem>>) target(%dma_start3A_45 : memref<200x128xf32, #tpu.memory_space<hbm>>) target_semaphore(%run_scoped3A : memref<!tpu.dma_semaphore, #tpu.memory_space<semaphore_mem>>)
        %dma_wait3A = arith.constant 0 : i32
        %dma_wait3A_46 = tpu.memref_slice %arg4[%add3A_42, %dma_wait3A] : memref<10000x128xf32, #tpu.memory_space<hbm>> -> memref<200x128xf32, #tpu.memory_space<hbm>>
        %dma_wait3A_47 = arith.constant 0 : i32
        %dma_wait3A_48 = tpu.memref_slice %arg4[%add3A_42, %dma_wait3A_47] : memref<10000x128xf32, #tpu.memory_space<hbm>> -> memref<200x128xf32, #tpu.memory_space<hbm>>
        tpu.wait_dma2 semaphore(%run_scoped3A : memref<!tpu.dma_semaphore, #tpu.memory_space<semaphore_mem>>) src(%arg7 : memref<200x128xf32, #tpu.memory_space<vmem>>) dst(%dma_wait3A_48 : memref<200x128xf32, #tpu.memory_space<hbm>>)
        tpu.yield
      }) : () -> ()
    } else {
    }
    %add3A_31 = arith.constant 16 : i32
    %add3A_32 = arith.addi %arg1, %add3A_31 : i32
    %lt3A_33 = arith.constant 25 : i32
    %lt3A_34 = arith.cmpi slt, %add3A_32, %lt3A_33 : i32
    %convert_element_type3A_35 = arith.extui %lt3A_34 : i1 to i32
    %cond3A_36 = arith.constant 0 : i32
    %cond3A_37 = arith.cmpi ne, %convert_element_type3A_35, %cond3A_36 : i32
    scf.if %cond3A_37 {
      %mul3A_38 = arith.constant 200 : i32
      %mul3A_39 = arith.muli %add3A_32, %mul3A_38 : i32
      "tpu.region"() ({
        %run_scoped3A = tpu.sem_alloc : memref<!tpu.dma_semaphore, #tpu.memory_space<semaphore_mem>>
        %dma_start3A = arith.constant 0 : i32
        %dma_start3A_43 = tpu.memref_slice %arg8[%mul3A_39, %dma_start3A] : memref<5200x128xf32, #tpu.memory_space<vmem_shared>> -> memref<200x128xf32, #tpu.memory_space<vmem_shared>>
        %dma_start3A_44 = arith.constant 0 : i32
        %dma_start3A_45 = tpu.memref_slice %arg8[%mul3A_39, %dma_start3A_44] : memref<5200x128xf32, #tpu.memory_space<vmem_shared>> -> memref<200x128xf32, #tpu.memory_space<vmem_shared>>
        tpu.enqueue_dma source(%dma_start3A_45 : memref<200x128xf32, #tpu.memory_space<vmem_shared>>) target(%arg7 : memref<200x128xf32, #tpu.memory_space<vmem>>) target_semaphore(%run_scoped3A : memref<!tpu.dma_semaphore, #tpu.memory_space<semaphore_mem>>)
        %dma_wait3A = arith.constant 0 : i32
        %dma_wait3A_46 = tpu.memref_slice %arg8[%mul3A_39, %dma_wait3A] : memref<5200x128xf32, #tpu.memory_space<vmem_shared>> -> memref<200x128xf32, #tpu.memory_space<vmem_shared>>
        %dma_wait3A_47 = arith.constant 0 : i32
        %dma_wait3A_48 = tpu.memref_slice %arg8[%mul3A_39, %dma_wait3A_47] : memref<5200x128xf32, #tpu.memory_space<vmem_shared>> -> memref<200x128xf32, #tpu.memory_space<vmem_shared>>
        tpu.wait_dma2 semaphore(%run_scoped3A : memref<!tpu.dma_semaphore, #tpu.memory_space<semaphore_mem>>) src(%dma_wait3A_48 : memref<200x128xf32, #tpu.memory_space<vmem_shared>>) dst(%arg7 : memref<200x128xf32, #tpu.memory_space<vmem>>)
        tpu.yield
      }) : () -> ()
      %mul3A_40 = arith.constant 200 : i32
      %mul3A_41 = arith.muli %add3A_32, %mul3A_40 : i32
      %add3A_42 = arith.addi %mul3A_0, %mul3A_41 : i32
      "tpu.region"() ({
        %run_scoped3A = tpu.sem_alloc : memref<!tpu.dma_semaphore, #tpu.memory_space<semaphore_mem>>
        %dma_start3A = arith.constant 0 : i32
        %dma_start3A_43 = tpu.memref_slice %arg4[%add3A_42, %dma_start3A] : memref<10000x128xf32, #tpu.memory_space<hbm>> -> memref<200x128xf32, #tpu.memory_space<hbm>>
        %dma_start3A_44 = arith.constant 0 : i32
        %dma_start3A_45 = tpu.memref_slice %arg4[%add3A_42, %dma_start3A_44] : memref<10000x128xf32, #tpu.memory_space<hbm>> -> memref<200x128xf32, #tpu.memory_space<hbm>>
        tpu.enqueue_dma source(%arg7 : memref<200x128xf32, #tpu.memory_space<vmem>>) target(%dma_start3A_45 : memref<200x128xf32, #tpu.memory_space<hbm>>) target_semaphore(%run_scoped3A : memref<!tpu.dma_semaphore, #tpu.memory_space<semaphore_mem>>)
        %dma_wait3A = arith.constant 0 : i32
        %dma_wait3A_46 = tpu.memref_slice %arg4[%add3A_42, %dma_wait3A] : memref<10000x128xf32, #tpu.memory_space<hbm>> -> memref<200x128xf32, #tpu.memory_space<hbm>>
        %dma_wait3A_47 = arith.constant 0 : i32
        %dma_wait3A_48 = tpu.memref_slice %arg4[%add3A_42, %dma_wait3A_47] : memref<10000x128xf32, #tpu.memory_space<hbm>> -> memref<200x128xf32, #tpu.memory_space<hbm>>
        tpu.wait_dma2 semaphore(%run_scoped3A : memref<!tpu.dma_semaphore, #tpu.memory_space<semaphore_mem>>) src(%arg7 : memref<200x128xf32, #tpu.memory_space<vmem>>) dst(%dma_wait3A_48 : memref<200x128xf32, #tpu.memory_space<hbm>>)
        tpu.yield
      }) : () -> ()
    } else {
    }
    return
  }
}

#map = affine_map<(d0, d1) -> (0, 0)>
#map1 = affine_map<(d0, d1) -> (0)>
module attributes {stable_mosaic.version = 14 : i64} {
  func.func @_gather_body(%arg0: i32, %arg1: i32, %arg2: memref<10000x128xf32, #tpu.memory_space<hbm>>, %arg3: memref<10000x128xf32, #tpu.memory_space<hbm>>, %arg4: memref<320000xi32, #tpu.memory_space<hbm>>, %arg5: memref<320000xi32, #tpu.memory_space<hbm>>, %arg6: memref<320000x128xf32, #tpu.memory_space<hbm>>, %arg7: memref<80xi32, #tpu.memory_space<vmem>>, %arg8: memref<80xi32, #tpu.memory_space<vmem>>, %arg9: memref<80x128xf32, #tpu.memory_space<vmem>>, %arg10: memref<!tpu.dma_semaphore, #tpu.memory_space<semaphore_mem>>) attributes {dimension_semantics = [#tpu.dimension_semantics<core_parallel>, #tpu.dimension_semantics<subcore_parallel>], iteration_bounds = array<i64: 2, 16>, scalar_prefetch = 0 : i64, scratch_operands = 4 : i64, tpu.core_type = #tpu.core_type<sc_vector_subcore>, window_params = [{transform_indices = #map}, {transform_indices = #map}, {transform_indices = #map1}, {transform_indices = #map1}, {transform_indices = #map}]} {
    %mul3A = arith.constant 2 : i32
    %mul3A_0 = arith.muli %arg1, %mul3A : i32
    %add3A = arith.addi %mul3A_0, %arg0 : i32
    %scan3A = arith.constant 0 : i32
    %scan3A_1 = arith.constant 0 : i32
    %scan3A_2 = arith.constant 125 : i32
    %scan3A_3 = arith.addi %scan3A_1, %scan3A_2 : i32
    %scan3A_4 = arith.constant 1 : i32
    scf.for %scan3A_6 = %scan3A_1 to %scan3A_3 step %scan3A_4  : i32 {
      %mul3A_7 = arith.constant 10000 : i32
      %mul3A_8 = arith.muli %add3A, %mul3A_7 : i32
      %mul3A_9 = arith.constant 80 : i32
      %mul3A_10 = arith.muli %scan3A_6, %mul3A_9 : i32
      %add3A_11 = arith.addi %mul3A_8, %mul3A_10 : i32
      "tpu.region"() ({
        %run_scoped3A = tpu.sem_alloc : memref<!tpu.dma_semaphore, #tpu.memory_space<semaphore_mem>>
        %dma_start3A_16 = tpu.memref_slice %arg4[%add3A_11] : memref<320000xi32, #tpu.memory_space<hbm>> -> memref<80xi32, #tpu.memory_space<hbm>>
        %dma_start3A_17 = tpu.memref_slice %arg4[%add3A_11] : memref<320000xi32, #tpu.memory_space<hbm>> -> memref<80xi32, #tpu.memory_space<hbm>>
        tpu.enqueue_dma source(%dma_start3A_17 : memref<80xi32, #tpu.memory_space<hbm>>) target(%arg7 : memref<80xi32, #tpu.memory_space<vmem>>) target_semaphore(%run_scoped3A : memref<!tpu.dma_semaphore, #tpu.memory_space<semaphore_mem>>)
        %dma_wait3A_18 = tpu.memref_slice %arg4[%add3A_11] : memref<320000xi32, #tpu.memory_space<hbm>> -> memref<80xi32, #tpu.memory_space<hbm>>
        %dma_wait3A_19 = tpu.memref_slice %arg4[%add3A_11] : memref<320000xi32, #tpu.memory_space<hbm>> -> memref<80xi32, #tpu.memory_space<hbm>>
        tpu.wait_dma2 semaphore(%run_scoped3A : memref<!tpu.dma_semaphore, #tpu.memory_space<semaphore_mem>>) src(%dma_wait3A_19 : memref<80xi32, #tpu.memory_space<hbm>>) dst(%arg7 : memref<80xi32, #tpu.memory_space<vmem>>)
        tpu.yield
      }) : () -> ()
      "tpu.region"() ({
        %run_scoped3A = tpu.sem_alloc : memref<!tpu.dma_semaphore, #tpu.memory_space<semaphore_mem>>
        %dma_start3A_16 = tpu.memref_slice %arg5[%add3A_11] : memref<320000xi32, #tpu.memory_space<hbm>> -> memref<80xi32, #tpu.memory_space<hbm>>
        %dma_start3A_17 = tpu.memref_slice %arg5[%add3A_11] : memref<320000xi32, #tpu.memory_space<hbm>> -> memref<80xi32, #tpu.memory_space<hbm>>
        tpu.enqueue_dma source(%dma_start3A_17 : memref<80xi32, #tpu.memory_space<hbm>>) target(%arg8 : memref<80xi32, #tpu.memory_space<vmem>>) target_semaphore(%run_scoped3A : memref<!tpu.dma_semaphore, #tpu.memory_space<semaphore_mem>>)
        %dma_wait3A_18 = tpu.memref_slice %arg5[%add3A_11] : memref<320000xi32, #tpu.memory_space<hbm>> -> memref<80xi32, #tpu.memory_space<hbm>>
        %dma_wait3A_19 = tpu.memref_slice %arg5[%add3A_11] : memref<320000xi32, #tpu.memory_space<hbm>> -> memref<80xi32, #tpu.memory_space<hbm>>
        tpu.wait_dma2 semaphore(%run_scoped3A : memref<!tpu.dma_semaphore, #tpu.memory_space<semaphore_mem>>) src(%dma_wait3A_19 : memref<80xi32, #tpu.memory_space<hbm>>) dst(%arg8 : memref<80xi32, #tpu.memory_space<vmem>>)
        tpu.yield
      }) : () -> ()
      %dma_start3A = arith.constant 0 : i32
      %dma_start3A_12 = arith.constant 0 : i32
      %dma_start3A_13 = tpu.memref_slice %arg2[%dma_start3A, %dma_start3A_12] : memref<10000x128xf32, #tpu.memory_space<hbm>> -> memref<10000x128xf32, #tpu.memory_space<hbm>>
      tpu.enqueue_indirect_dma source(%dma_start3A_13 : memref<10000x128xf32, #tpu.memory_space<hbm>>) target(%arg9 : memref<80x128xf32, #tpu.memory_space<vmem>>) offsets(%arg7 : memref<80xi32, #tpu.memory_space<vmem>>) semaphore(%arg10 : memref<!tpu.dma_semaphore, #tpu.memory_space<semaphore_mem>>)
      %dma_wait3A = arith.constant 0 : i32
      %dma_wait3A_14 = arith.constant 0 : i32
      %dma_wait3A_15 = tpu.memref_slice %arg2[%dma_wait3A, %dma_wait3A_14] : memref<10000x128xf32, #tpu.memory_space<hbm>> -> memref<10000x128xf32, #tpu.memory_space<hbm>>
      tpu.wait_indirect_dma semaphore(%arg10 : memref<!tpu.dma_semaphore, #tpu.memory_space<semaphore_mem>>) src(%dma_wait3A_15 : memref<10000x128xf32, #tpu.memory_space<hbm>>) dst(%arg9 : memref<80x128xf32, #tpu.memory_space<vmem>>)
      "tpu.region"() ({
        %run_scoped3A = tpu.sem_alloc : memref<!tpu.dma_semaphore, #tpu.memory_space<semaphore_mem>>
        %dma_start3A_16 = arith.constant 0 : i32
        %dma_start3A_17 = arith.constant 0 : i32
        %dma_start3A_18 = tpu.memref_slice %arg3[%dma_start3A_16, %dma_start3A_17] : memref<10000x128xf32, #tpu.memory_space<hbm>> -> memref<10000x128xf32, #tpu.memory_space<hbm>>
        tpu.enqueue_indirect_dma source(%dma_start3A_18 : memref<10000x128xf32, #tpu.memory_space<hbm>>) target(%arg9 : memref<80x128xf32, #tpu.memory_space<vmem>>) offsets(%arg8 : memref<80xi32, #tpu.memory_space<vmem>>) semaphore(%run_scoped3A : memref<!tpu.dma_semaphore, #tpu.memory_space<semaphore_mem>>) {add = true}
        %dma_wait3A_19 = arith.constant 0 : i32
        %dma_wait3A_20 = arith.constant 0 : i32
        %dma_wait3A_21 = tpu.memref_slice %arg3[%dma_wait3A_19, %dma_wait3A_20] : memref<10000x128xf32, #tpu.memory_space<hbm>> -> memref<10000x128xf32, #tpu.memory_space<hbm>>
        tpu.wait_indirect_dma semaphore(%run_scoped3A : memref<!tpu.dma_semaphore, #tpu.memory_space<semaphore_mem>>) src(%dma_wait3A_21 : memref<10000x128xf32, #tpu.memory_space<hbm>>) dst(%arg9 : memref<80x128xf32, #tpu.memory_space<vmem>>)
        tpu.yield
      }) : () -> ()
      "tpu.region"() ({
        %run_scoped3A = tpu.sem_alloc : memref<!tpu.dma_semaphore, #tpu.memory_space<semaphore_mem>>
        %dma_start3A_16 = arith.constant 0 : i32
        %dma_start3A_17 = tpu.memref_slice %arg6[%add3A_11, %dma_start3A_16] : memref<320000x128xf32, #tpu.memory_space<hbm>> -> memref<80x128xf32, #tpu.memory_space<hbm>>
        %dma_start3A_18 = arith.constant 0 : i32
        %dma_start3A_19 = tpu.memref_slice %arg6[%add3A_11, %dma_start3A_18] : memref<320000x128xf32, #tpu.memory_space<hbm>> -> memref<80x128xf32, #tpu.memory_space<hbm>>
        tpu.enqueue_dma source(%arg9 : memref<80x128xf32, #tpu.memory_space<vmem>>) target(%dma_start3A_19 : memref<80x128xf32, #tpu.memory_space<hbm>>) target_semaphore(%run_scoped3A : memref<!tpu.dma_semaphore, #tpu.memory_space<semaphore_mem>>)
        %dma_wait3A_20 = arith.constant 0 : i32
        %dma_wait3A_21 = tpu.memref_slice %arg6[%add3A_11, %dma_wait3A_20] : memref<320000x128xf32, #tpu.memory_space<hbm>> -> memref<80x128xf32, #tpu.memory_space<hbm>>
        %dma_wait3A_22 = arith.constant 0 : i32
        %dma_wait3A_23 = tpu.memref_slice %arg6[%add3A_11, %dma_wait3A_22] : memref<320000x128xf32, #tpu.memory_space<hbm>> -> memref<80x128xf32, #tpu.memory_space<hbm>>
        tpu.wait_dma2 semaphore(%run_scoped3A : memref<!tpu.dma_semaphore, #tpu.memory_space<semaphore_mem>>) src(%arg9 : memref<80x128xf32, #tpu.memory_space<vmem>>) dst(%dma_wait3A_23 : memref<80x128xf32, #tpu.memory_space<hbm>>)
        tpu.yield
      }) : () -> ()
    }
    %scan3A_5 = arith.constant 125 : i32
    return
  }
}

module attributes {stable_mosaic.version = 14 : i64} {
  func.func @_pre_body(%arg0: memref<10000x128xf32, #tpu.memory_space<vmem>>, %arg1: memref<256x128xf32, #tpu.memory_space<vmem>>, %arg2: memref<10000x1xi32, #tpu.memory_space<vmem>>, %arg3: memref<128x128xf32, #tpu.memory_space<vmem>>, %arg4: memref<128x128xf32, #tpu.memory_space<vmem>>, %arg5: memref<128x128xf32, #tpu.memory_space<vmem>>, %arg6: memref<1x128xf32, #tpu.memory_space<vmem>>, %arg7: memref<10000x128xf32, #tpu.memory_space<vmem>>, %arg8: memref<10000x128xf32, #tpu.memory_space<vmem>>, %arg9: memref<1x256xf32, #tpu.memory_space<vmem>>) attributes {dimension_semantics = [], scalar_prefetch = 0 : i64, scratch_operands = 0 : i64, tpu.core_type = #tpu.core_type<tc>} {
    %get3A = arith.constant 0 : index
    %get3A_0 = arith.constant 0 : index
    %get3A_1 = vector.load %arg1[%get3A, %get3A_0] : memref<256x128xf32, #tpu.memory_space<vmem>>, vector<256x128xf32>
    %get3A_2 = arith.constant 0 : index
    %get3A_3 = arith.constant 0 : index
    %get3A_4 = vector.load %arg5[%get3A_2, %get3A_3] : memref<128x128xf32, #tpu.memory_space<vmem>>, vector<128x128xf32>
    %dot_general3A = arith.constant dense<0.000000e+00> : vector<256x128xf32>
    %dot_general3A_5 = tpu.matmul %get3A_1, %get3A_4, %dot_general3A {dimension_numbers = #tpu.dot_dimension_numbers<[1], [0], [0], [1], [0, 0, 1, 1], [], []>, transpose_lhs_hint = false} : vector<256x128xf32>, vector<128x128xf32>, vector<256x128xf32> -> vector<256x128xf32>
    %iota3A = tpu.iota {dimensions = array<i32: 1>} : vector<10000x256xi32>
    %get3A_6 = arith.constant 0 : index
    %get3A_7 = arith.constant 0 : index
    %get3A_8 = vector.load %arg2[%get3A_6, %get3A_7] : memref<10000x1xi32, #tpu.memory_space<vmem>>, vector<10000x1xi32>
    %eq3A = vector.broadcast %get3A_8 : vector<10000x1xi32> to vector<10000x256xi32>
    %eq3A_9 = arith.cmpi eq, %eq3A, %iota3A : vector<10000x256xi32>
    %convert_element_type3A = arith.extui %eq3A_9 : vector<10000x256xi1> to vector<10000x256xi32>
    %convert_element_type3A_10 = arith.sitofp %convert_element_type3A : vector<10000x256xi32> to vector<10000x256xf32>
    %dot_general3A_11 = arith.constant dense<0.000000e+00> : vector<10000x128xf32>
    %dot_general3A_12 = tpu.matmul %convert_element_type3A_10, %dot_general3A_5, %dot_general3A_11 {dimension_numbers = #tpu.dot_dimension_numbers<[1], [0], [0], [1], [0, 0, 1, 1], [], []>, transpose_lhs_hint = false} : vector<10000x256xf32>, vector<256x128xf32>, vector<10000x128xf32> -> vector<10000x128xf32>
    %get3A_13 = arith.constant 0 : index
    %get3A_14 = arith.constant 0 : index
    %get3A_15 = vector.load %arg0[%get3A_13, %get3A_14] : memref<10000x128xf32, #tpu.memory_space<vmem>>, vector<10000x128xf32>
    %get3A_16 = arith.constant 0 : index
    %get3A_17 = arith.constant 0 : index
    %get3A_18 = vector.load %arg3[%get3A_16, %get3A_17] : memref<128x128xf32, #tpu.memory_space<vmem>>, vector<128x128xf32>
    %dot_general3A_19 = arith.constant dense<0.000000e+00> : vector<10000x128xf32>
    %dot_general3A_20 = tpu.matmul %get3A_15, %get3A_18, %dot_general3A_19 {dimension_numbers = #tpu.dot_dimension_numbers<[1], [0], [0], [1], [0, 0, 1, 1], [], []>, transpose_lhs_hint = false} : vector<10000x128xf32>, vector<128x128xf32>, vector<10000x128xf32> -> vector<10000x128xf32>
    %add3A = arith.addf %dot_general3A_20, %dot_general3A_12 : vector<10000x128xf32>
    %get3A_21 = arith.constant 0 : index
    %get3A_22 = arith.constant 0 : index
    %get3A_23 = vector.load %arg6[%get3A_21, %get3A_22] : memref<1x128xf32, #tpu.memory_space<vmem>>, vector<1x128xf32>
    %add3A_24 = vector.broadcast %get3A_23 : vector<1x128xf32> to vector<10000x128xf32>
    %add3A_25 = arith.addf %add3A, %add3A_24 : vector<10000x128xf32>
    %swap3A = arith.constant 0 : index
    %swap3A_26 = arith.constant 0 : index
    %swap3A_27 = vector.load %arg7[%swap3A, %swap3A_26] : memref<10000x128xf32, #tpu.memory_space<vmem>>, vector<10000x128xf32>
    tpu.vector_store %arg7[%swap3A, %swap3A_26], %add3A_25 {strides = array<i32>} : memref<10000x128xf32, #tpu.memory_space<vmem>>, vector<10000x128xf32>,
    %get3A_28 = arith.constant 0 : index
    %get3A_29 = arith.constant 0 : index
    %get3A_30 = vector.load %arg0[%get3A_28, %get3A_29] : memref<10000x128xf32, #tpu.memory_space<vmem>>, vector<10000x128xf32>
    %get3A_31 = arith.constant 0 : index
    %get3A_32 = arith.constant 0 : index
    %get3A_33 = vector.load %arg4[%get3A_31, %get3A_32] : memref<128x128xf32, #tpu.memory_space<vmem>>, vector<128x128xf32>
    %dot_general3A_34 = arith.constant dense<0.000000e+00> : vector<10000x128xf32>
    %dot_general3A_35 = tpu.matmul %get3A_30, %get3A_33, %dot_general3A_34 {dimension_numbers = #tpu.dot_dimension_numbers<[1], [0], [0], [1], [0, 0, 1, 1], [], []>, transpose_lhs_hint = false} : vector<10000x128xf32>, vector<128x128xf32>, vector<10000x128xf32> -> vector<10000x128xf32>
    %swap3A_36 = arith.constant 0 : index
    %swap3A_37 = arith.constant 0 : index
    %swap3A_38 = vector.load %arg8[%swap3A_36, %swap3A_37] : memref<10000x128xf32, #tpu.memory_space<vmem>>, vector<10000x128xf32>
    tpu.vector_store %arg8[%swap3A_36, %swap3A_37], %dot_general3A_35 {strides = array<i32>} : memref<10000x128xf32, #tpu.memory_space<vmem>>, vector<10000x128xf32>,
    %get3A_39 = arith.constant 0 : index
    %get3A_40 = arith.constant 0 : index
    %get3A_41 = vector.load %arg2[%get3A_39, %get3A_40] : memref<10000x1xi32, #tpu.memory_space<vmem>>, vector<10000x1xi32>
    %lt3A = vector.broadcast %get3A_41 : vector<10000x1xi32> to vector<10000x256xi32>
    %lt3A_42 = arith.cmpi slt, %lt3A, %iota3A : vector<10000x256xi32>
    %convert_element_type3A_43 = arith.extui %lt3A_42 : vector<10000x256xi1> to vector<10000x256xi32>
    %convert_element_type3A_44 = arith.sitofp %convert_element_type3A_43 : vector<10000x256xi32> to vector<10000x256xf32>
    %broadcast_in_dim3A = arith.constant 1.000000e+00 : f32
    %broadcast_in_dim3A_45 = vector.broadcast %broadcast_in_dim3A : f32 to vector<1x10000xf32>
    %dot_general3A_46 = arith.constant dense<0.000000e+00> : vector<1x256xf32>
    %dot_general3A_47 = tpu.matmul %broadcast_in_dim3A_45, %convert_element_type3A_44, %dot_general3A_46 {dimension_numbers = #tpu.dot_dimension_numbers<[1], [0], [0], [1], [0, 0, 1, 1], [], []>, transpose_lhs_hint = false} : vector<1x10000xf32>, vector<10000x256xf32>, vector<1x256xf32> -> vector<1x256xf32>
    %swap3A_48 = arith.constant 0 : index
    %swap3A_49 = arith.constant 0 : index
    %swap3A_50 = vector.load %arg9[%swap3A_48, %swap3A_49] : memref<1x256xf32, #tpu.memory_space<vmem>>, vector<1x256xf32>
    tpu.vector_store %arg9[%swap3A_48, %swap3A_49], %dot_general3A_47 {strides = array<i32>} : memref<1x256xf32, #tpu.memory_space<vmem>>, vector<1x256xf32>,
    return
  }
}

module attributes {stable_mosaic.version = 14 : i64} {
  func.func @_edge_body(%arg0: i32, %arg1: memref<2000x128xf32, #tpu.memory_space<vmem>>, %arg2: memref<2000x16xf32, #tpu.memory_space<vmem>>, %arg3: memref<2000x1xi32, #tpu.memory_space<vmem>>, %arg4: memref<1x256xf32, #tpu.memory_space<vmem>>, %arg5: memref<16x128xf32, #tpu.memory_space<vmem>>, %arg6: memref<128x128xf32, #tpu.memory_space<vmem>>, %arg7: memref<1x128xf32, #tpu.memory_space<vmem>>, %arg8: memref<2000x128xf32, #tpu.memory_space<vmem>>, %arg9: memref<1x256xf32, #tpu.memory_space<vmem>>) attributes {dimension_semantics = [#tpu.dimension_semantics<arbitrary>], iteration_bounds = array<i64: 160>, scalar_prefetch = 0 : i64, scratch_operands = 0 : i64, tpu.core_type = #tpu.core_type<tc>, window_params = [{transform_indices = @transform_0, window_bounds = array<i64: 2000, 128>}, {transform_indices = @transform_1, window_bounds = array<i64: 2000, 16>}, {transform_indices = @transform_2, window_bounds = array<i64: 2000, 1>}, {pipeline_mode = #tpu.pipeline_mode<synchronous>, transform_indices = @transform_3, window_bounds = array<i64: 1, 256>}, {pipeline_mode = #tpu.pipeline_mode<synchronous>, transform_indices = @transform_4, window_bounds = array<i64: 16, 128>}, {pipeline_mode = #tpu.pipeline_mode<synchronous>, transform_indices = @transform_5, window_bounds = array<i64: 128, 128>}, {pipeline_mode = #tpu.pipeline_mode<synchronous>, transform_indices = @transform_6, window_bounds = array<i64: 1, 128>}, {transform_indices = @transform_7, window_bounds = array<i64: 2000, 128>}, {pipeline_mode = #tpu.pipeline_mode<synchronous>, transform_indices = @transform_8, window_bounds = array<i64: 1, 256>}]} {
    %eq3A = arith.constant 0 : i32
    %eq3A_0 = arith.cmpi eq, %arg0, %eq3A : i32
    %convert_element_type3A = arith.extui %eq3A_0 : i1 to i32
    %cond3A = arith.constant 0 : i32
    %cond3A_1 = arith.cmpi ne, %convert_element_type3A, %cond3A : i32
    scf.if %cond3A_1 {
      %broadcast_in_dim3A_46 = arith.constant 0.000000e+00 : f32
      %broadcast_in_dim3A_47 = vector.broadcast %broadcast_in_dim3A_46 : f32 to vector<1x256xf32>
      %swap3A_48 = arith.constant 0 : index
      %swap3A_49 = arith.constant 0 : index
      %swap3A_50 = vector.load %arg9[%swap3A_48, %swap3A_49] : memref<1x256xf32, #tpu.memory_space<vmem>>, vector<1x256xf32>
      tpu.vector_store %arg9[%swap3A_48, %swap3A_49], %broadcast_in_dim3A_47 {strides = array<i32>} : memref<1x256xf32, #tpu.memory_space<vmem>>, vector<1x256xf32>,
    } else {
    }
    %get3A = arith.constant 0 : index
    %get3A_2 = arith.constant 0 : index
    %get3A_3 = vector.load %arg1[%get3A, %get3A_2] : memref<2000x128xf32, #tpu.memory_space<vmem>>, vector<2000x128xf32>
    %get3A_4 = arith.constant 0 : index
    %get3A_5 = arith.constant 0 : index
    %get3A_6 = vector.load %arg2[%get3A_4, %get3A_5] : memref<2000x16xf32, #tpu.memory_space<vmem>>, vector<2000x16xf32>
    %get3A_7 = arith.constant 0 : index
    %get3A_8 = arith.constant 0 : index
    %get3A_9 = vector.load %arg5[%get3A_7, %get3A_8] : memref<16x128xf32, #tpu.memory_space<vmem>>, vector<16x128xf32>
    %dot_general3A = arith.constant dense<0.000000e+00> : vector<2000x128xf32>
    %dot_general3A_10 = tpu.matmul %get3A_6, %get3A_9, %dot_general3A {dimension_numbers = #tpu.dot_dimension_numbers<[1], [0], [0], [1], [0, 0, 1, 1], [], []>, transpose_lhs_hint = false} : vector<2000x16xf32>, vector<16x128xf32>, vector<2000x128xf32> -> vector<2000x128xf32>
    %add3A = arith.addf %get3A_3, %dot_general3A_10 : vector<2000x128xf32>
    %max3A = arith.constant 0.000000e+00 : f32
    %max3A_11 = vector.broadcast %max3A : f32 to vector<2000x128xf32>
    %max3A_12 = arith.maximumf %add3A, %max3A_11 : vector<2000x128xf32>
    %get3A_13 = arith.constant 0 : index
    %get3A_14 = arith.constant 0 : index
    %get3A_15 = vector.load %arg6[%get3A_13, %get3A_14] : memref<128x128xf32, #tpu.memory_space<vmem>>, vector<128x128xf32>
    %dot_general3A_16 = arith.constant dense<0.000000e+00> : vector<2000x128xf32>
    %dot_general3A_17 = tpu.matmul %max3A_12, %get3A_15, %dot_general3A_16 {dimension_numbers = #tpu.dot_dimension_numbers<[1], [0], [0], [1], [0, 0, 1, 1], [], []>, transpose_lhs_hint = false} : vector<2000x128xf32>, vector<128x128xf32>, vector<2000x128xf32> -> vector<2000x128xf32>
    %get3A_18 = arith.constant 0 : index
    %get3A_19 = arith.constant 0 : index
    %get3A_20 = vector.load %arg7[%get3A_18, %get3A_19] : memref<1x128xf32, #tpu.memory_space<vmem>>, vector<1x128xf32>
    %add3A_21 = vector.broadcast %get3A_20 : vector<1x128xf32> to vector<2000x128xf32>
    %add3A_22 = arith.addf %dot_general3A_17, %add3A_21 : vector<2000x128xf32>
    %swap3A = arith.constant 0 : index
    %swap3A_23 = arith.constant 0 : index
    %swap3A_24 = vector.load %arg8[%swap3A, %swap3A_23] : memref<2000x128xf32, #tpu.memory_space<vmem>>, vector<2000x128xf32>
    tpu.vector_store %arg8[%swap3A, %swap3A_23], %add3A_22 {strides = array<i32>} : memref<2000x128xf32, #tpu.memory_space<vmem>>, vector<2000x128xf32>,
    %get3A_25 = arith.constant 0 : index
    %get3A_26 = arith.constant 0 : index
    %get3A_27 = vector.load %arg3[%get3A_25, %get3A_26] : memref<2000x1xi32, #tpu.memory_space<vmem>>, vector<2000x1xi32>
    %convert_element_type3A_28 = arith.sitofp %get3A_27 : vector<2000x1xi32> to vector<2000x1xf32>
    %get3A_29 = arith.constant 0 : index
    %get3A_30 = arith.constant 0 : index
    %get3A_31 = vector.load %arg4[%get3A_29, %get3A_30] : memref<1x256xf32, #tpu.memory_space<vmem>>, vector<1x256xf32>
    %ge3A = vector.broadcast %convert_element_type3A_28 : vector<2000x1xf32> to vector<2000x256xf32>
    %ge3A_32 = vector.broadcast %get3A_31 : vector<1x256xf32> to vector<2000x256xf32>
    %ge3A_33 = arith.cmpf oge, %ge3A, %ge3A_32 : vector<2000x256xf32>
    %convert_element_type3A_34 = arith.extui %ge3A_33 : vector<2000x256xi1> to vector<2000x256xi32>
    %convert_element_type3A_35 = arith.sitofp %convert_element_type3A_34 : vector<2000x256xi32> to vector<2000x256xf32>
    %get3A_36 = arith.constant 0 : index
    %get3A_37 = arith.constant 0 : index
    %get3A_38 = vector.load %arg9[%get3A_36, %get3A_37] : memref<1x256xf32, #tpu.memory_space<vmem>>, vector<1x256xf32>
    %broadcast_in_dim3A = arith.constant 1.000000e+00 : f32
    %broadcast_in_dim3A_39 = vector.broadcast %broadcast_in_dim3A : f32 to vector<1x2000xf32>
    %dot_general3A_40 = arith.constant dense<0.000000e+00> : vector<1x256xf32>
    %dot_general3A_41 = tpu.matmul %broadcast_in_dim3A_39, %convert_element_type3A_35, %dot_general3A_40 {dimension_numbers = #tpu.dot_dimension_numbers<[1], [0], [0], [1], [0, 0, 1, 1], [], []>, transpose_lhs_hint = false} : vector<1x2000xf32>, vector<2000x256xf32>, vector<1x256xf32> -> vector<1x256xf32>
    %add3A_42 = arith.addf %get3A_38, %dot_general3A_41 : vector<1x256xf32>
    %swap3A_43 = arith.constant 0 : index
    %swap3A_44 = arith.constant 0 : index
    %swap3A_45 = vector.load %arg9[%swap3A_43, %swap3A_44] : memref<1x256xf32, #tpu.memory_space<vmem>>, vector<1x256xf32>
    tpu.vector_store %arg9[%swap3A_43, %swap3A_44], %add3A_42 {strides = array<i32>} : memref<1x256xf32, #tpu.memory_space<vmem>>, vector<1x256xf32>,
    return
  }
  func.func @transform_0(%arg0: i32) -> (i32, i32) {
    %c0_i32 = arith.constant 0 : i32
    %c0_i32_0 = arith.constant 0 : i32
    return %arg0, %c0_i32 : i32, i32
  }
  func.func @transform_1(%arg0: i32) -> (i32, i32) {
    %c0_i32 = arith.constant 0 : i32
    %c0_i32_0 = arith.constant 0 : i32
    return %arg0, %c0_i32 : i32, i32
  }
  func.func @transform_2(%arg0: i32) -> (i32, i32) {
    %c0_i32 = arith.constant 0 : i32
    %c0_i32_0 = arith.constant 0 : i32
    return %arg0, %c0_i32 : i32, i32
  }
  func.func @transform_3(%arg0: i32) -> (i32, i32) {
    %c0_i32 = arith.constant 0 : i32
    %c0_i32_0 = arith.constant 0 : i32
    %c0_i32_1 = arith.constant 0 : i32
    return %c0_i32, %c0_i32_0 : i32, i32
  }
  func.func @transform_4(%arg0: i32) -> (i32, i32) {
    %c0_i32 = arith.constant 0 : i32
    %c0_i32_0 = arith.constant 0 : i32
    %c0_i32_1 = arith.constant 0 : i32
    return %c0_i32, %c0_i32_0 : i32, i32
  }
  func.func @transform_5(%arg0: i32) -> (i32, i32) {
    %c0_i32 = arith.constant 0 : i32
    %c0_i32_0 = arith.constant 0 : i32
    %c0_i32_1 = arith.constant 0 : i32
    return %c0_i32, %c0_i32_0 : i32, i32
  }
  func.func @transform_6(%arg0: i32) -> (i32, i32) {
    %c0_i32 = arith.constant 0 : i32
    %c0_i32_0 = arith.constant 0 : i32
    %c0_i32_1 = arith.constant 0 : i32
    return %c0_i32, %c0_i32_0 : i32, i32
  }
  func.func @transform_7(%arg0: i32) -> (i32, i32) {
    %c0_i32 = arith.constant 0 : i32
    %c0_i32_0 = arith.constant 0 : i32
    return %arg0, %c0_i32 : i32, i32
  }
  func.func @transform_8(%arg0: i32) -> (i32, i32) {
    %c0_i32 = arith.constant 0 : i32
    %c0_i32_0 = arith.constant 0 : i32
    %c0_i32_1 = arith.constant 0 : i32
    return %c0_i32, %c0_i32_0 : i32, i32
  }
}

module attributes {stable_mosaic.version = 14 : i64} {
  func.func @_node_body(%arg0: i32, %arg1: memref<2000x128xf32, #tpu.memory_space<vmem>>, %arg2: memref<2000x128xf32, #tpu.memory_space<vmem>>, %arg3: memref<1x256xf32, #tpu.memory_space<vmem>>, %arg4: memref<2000x1xi32, #tpu.memory_space<vmem>>, %arg5: memref<256x128xf32, #tpu.memory_space<vmem>>, %arg6: memref<1x384xf32, #tpu.memory_space<vmem>>, %arg7: memref<1x384xf32, #tpu.memory_space<vmem>>, %arg8: memref<384x128xf32, #tpu.memory_space<vmem>>, %arg9: memref<128x384xf32, #tpu.memory_space<vmem>>, %arg10: memref<384x128xf32, #tpu.memory_space<vmem>>, %arg11: memref<1x128xf32, #tpu.memory_space<vmem>>, %arg12: memref<128x128xf32, #tpu.memory_space<vmem>>, %arg13: memref<1x128xf32, #tpu.memory_space<vmem>>, %arg14: memref<128x128xf32, #tpu.memory_space<vmem>>, %arg15: memref<128x128xf32, #tpu.memory_space<vmem>>, %arg16: memref<128x128xf32, #tpu.memory_space<vmem>>, %arg17: memref<1x128xf32, #tpu.memory_space<vmem>>, %arg18: memref<128x128xf32, #tpu.memory_space<vmem>>, %arg19: memref<1x128xf32, #tpu.memory_space<vmem>>, %arg20: memref<2000x128xf32, #tpu.memory_space<vmem>>, %arg21: memref<256x128xf32, #tpu.memory_space<vmem>>, %arg22: memref<256x128xf32, #tpu.memory_space<vmem>>, %arg23: memref<256x128xf32, #tpu.memory_space<vmem>>, %arg24: memref<256x128xf32, #tpu.memory_space<vmem>>) attributes {dimension_semantics = [#tpu.dimension_semantics<arbitrary>], iteration_bounds = array<i64: 5>, scalar_prefetch = 0 : i64, scratch_operands = 3 : i64, tpu.core_type = #tpu.core_type<tc>, window_params = [{transform_indices = @transform_0, window_bounds = array<i64: 2000, 128>}, {transform_indices = @transform_1, window_bounds = array<i64: 2000, 128>}, {pipeline_mode = #tpu.pipeline_mode<synchronous>, transform_indices = @transform_2, window_bounds = array<i64: 1, 256>}, {transform_indices = @transform_3, window_bounds = array<i64: 2000, 1>}, {pipeline_mode = #tpu.pipeline_mode<synchronous>, transform_indices = @transform_4, window_bounds = array<i64: 256, 128>}, {pipeline_mode = #tpu.pipeline_mode<synchronous>, transform_indices = @transform_5, window_bounds = array<i64: 1, 384>}, {pipeline_mode = #tpu.pipeline_mode<synchronous>, transform_indices = @transform_6, window_bounds = array<i64: 1, 384>}, {pipeline_mode = #tpu.pipeline_mode<synchronous>, transform_indices = @transform_7, window_bounds = array<i64: 384, 128>}, {pipeline_mode = #tpu.pipeline_mode<synchronous>, transform_indices = @transform_8, window_bounds = array<i64: 128, 384>}, {pipeline_mode = #tpu.pipeline_mode<synchronous>, transform_indices = @transform_9, window_bounds = array<i64: 384, 128>}, {pipeline_mode = #tpu.pipeline_mode<synchronous>, transform_indices = @transform_10, window_bounds = array<i64: 1, 128>}, {pipeline_mode = #tpu.pipeline_mode<synchronous>, transform_indices = @transform_11, window_bounds = array<i64: 128, 128>}, {pipeline_mode = #tpu.pipeline_mode<synchronous>, transform_indices = @transform_12, window_bounds = array<i64: 1, 128>}, {pipeline_mode = #tpu.pipeline_mode<synchronous>, transform_indices = @transform_13, window_bounds = array<i64: 128, 128>}, {pipeline_mode = #tpu.pipeline_mode<synchronous>, transform_indices = @transform_14, window_bounds = array<i64: 128, 128>}, {pipeline_mode = #tpu.pipeline_mode<synchronous>, transform_indices = @transform_15, window_bounds = array<i64: 128, 128>}, {pipeline_mode = #tpu.pipeline_mode<synchronous>, transform_indices = @transform_16, window_bounds = array<i64: 1, 128>}, {pipeline_mode = #tpu.pipeline_mode<synchronous>, transform_indices = @transform_17, window_bounds = array<i64: 128, 128>}, {pipeline_mode = #tpu.pipeline_mode<synchronous>, transform_indices = @transform_18, window_bounds = array<i64: 1, 128>}, {transform_indices = @transform_19, window_bounds = array<i64: 2000, 128>}, {pipeline_mode = #tpu.pipeline_mode<synchronous>, transform_indices = @transform_20, window_bounds = array<i64: 256, 128>}]} {
    %eq3A = arith.constant 0 : i32
    %eq3A_0 = arith.cmpi eq, %arg0, %eq3A : i32
    %convert_element_type3A = arith.extui %eq3A_0 : i1 to i32
    %cond3A = arith.constant 0 : i32
    %cond3A_1 = arith.cmpi ne, %convert_element_type3A, %cond3A : i32
    scf.if %cond3A_1 {
      %broadcast_in_dim3A_128 = arith.constant 0.000000e+00 : f32
      %broadcast_in_dim3A_129 = vector.broadcast %broadcast_in_dim3A_128 : f32 to vector<256x128xf32>
      %swap3A_130 = arith.constant 0 : index
      %swap3A_131 = arith.constant 0 : index
      %swap3A_132 = vector.load %arg22[%swap3A_130, %swap3A_131] : memref<256x128xf32, #tpu.memory_space<vmem>>, vector<256x128xf32>
      tpu.vector_store %arg22[%swap3A_130, %swap3A_131], %broadcast_in_dim3A_129 {strides = array<i32>} : memref<256x128xf32, #tpu.memory_space<vmem>>, vector<256x128xf32>,
      %broadcast_in_dim3A_133 = arith.constant 0.000000e+00 : f32
      %broadcast_in_dim3A_134 = vector.broadcast %broadcast_in_dim3A_133 : f32 to vector<256x128xf32>
      %swap3A_135 = arith.constant 0 : index
      %swap3A_136 = arith.constant 0 : index
      %swap3A_137 = vector.load %arg23[%swap3A_135, %swap3A_136] : memref<256x128xf32, #tpu.memory_space<vmem>>, vector<256x128xf32>
      tpu.vector_store %arg23[%swap3A_135, %swap3A_136], %broadcast_in_dim3A_134 {strides = array<i32>} : memref<256x128xf32, #tpu.memory_space<vmem>>, vector<256x128xf32>,
      %broadcast_in_dim3A_138 = arith.constant 0.000000e+00 : f32
      %broadcast_in_dim3A_139 = vector.broadcast %broadcast_in_dim3A_138 : f32 to vector<256x128xf32>
      %swap3A_140 = arith.constant 0 : index
      %swap3A_141 = arith.constant 0 : index
      %swap3A_142 = vector.load %arg24[%swap3A_140, %swap3A_141] : memref<256x128xf32, #tpu.memory_space<vmem>>, vector<256x128xf32>
      tpu.vector_store %arg24[%swap3A_140, %swap3A_141], %broadcast_in_dim3A_139 {strides = array<i32>} : memref<256x128xf32, #tpu.memory_space<vmem>>, vector<256x128xf32>,
    } else {
    }
    %get3A = arith.constant 0 : index
    %get3A_2 = arith.constant 0 : index
    %get3A_3 = vector.load %arg1[%get3A, %get3A_2] : memref<2000x128xf32, #tpu.memory_space<vmem>>, vector<2000x128xf32>
    %get3A_4 = arith.constant 0 : index
    %get3A_5 = arith.constant 0 : index
    %get3A_6 = vector.load %arg2[%get3A_4, %get3A_5] : memref<2000x128xf32, #tpu.memory_space<vmem>>, vector<2000x128xf32>
    %get3A_7 = arith.constant 0 : index
    %get3A_8 = arith.constant 0 : index
    %get3A_9 = vector.load %arg4[%get3A_7, %get3A_8] : memref<2000x1xi32, #tpu.memory_space<vmem>>, vector<2000x1xi32>
    %iota3A = tpu.iota {dimensions = array<i32: 1>} : vector<2000x256xi32>
    %eq3A_10 = vector.broadcast %get3A_9 : vector<2000x1xi32> to vector<2000x256xi32>
    %eq3A_11 = arith.cmpi eq, %eq3A_10, %iota3A : vector<2000x256xi32>
    %convert_element_type3A_12 = arith.extui %eq3A_11 : vector<2000x256xi1> to vector<2000x256xi32>
    %convert_element_type3A_13 = arith.sitofp %convert_element_type3A_12 : vector<2000x256xi32> to vector<2000x256xf32>
    %get3A_14 = arith.constant 0 : index
    %get3A_15 = arith.constant 0 : index
    %get3A_16 = vector.load %arg5[%get3A_14, %get3A_15] : memref<256x128xf32, #tpu.memory_space<vmem>>, vector<256x128xf32>
    %dot_general3A = arith.constant dense<0.000000e+00> : vector<2000x128xf32>
    %dot_general3A_17 = tpu.matmul %convert_element_type3A_13, %get3A_16, %dot_general3A {dimension_numbers = #tpu.dot_dimension_numbers<[1], [0], [0], [1], [0, 0, 1, 1], [], []>, transpose_lhs_hint = false} : vector<2000x256xf32>, vector<256x128xf32>, vector<2000x128xf32> -> vector<2000x128xf32>
    %concatenate3A = tpu.concatenate %get3A_3, %get3A_6, %dot_general3A_17 in 1 : vector<2000x128xf32>, vector<2000x128xf32>, vector<2000x128xf32> -> vector<2000x384xf32>
    %reduce_sum3A = arith.constant dense<0.000000e+00> : vector<2000xf32>
    %reduce_sum3A_18 = vector.multi_reduction <add>, %concatenate3A, %reduce_sum3A [1] : vector<2000x384xf32> to vector<2000xf32>
    %broadcast_in_dim3A = vector.shape_cast %reduce_sum3A_18 : vector<2000xf32> to vector<2000x1xf32>
    %mul3A = arith.constant 0.00386100379 : f32
    %mul3A_19 = vector.broadcast %mul3A : f32 to vector<2000x1xf32>
    %mul3A_20 = arith.mulf %broadcast_in_dim3A, %mul3A_19 : vector<2000x1xf32>
    %mul3A_21 = arith.mulf %concatenate3A, %concatenate3A : vector<2000x384xf32>
    %reduce_sum3A_22 = arith.constant dense<0.000000e+00> : vector<2000xf32>
    %reduce_sum3A_23 = vector.multi_reduction <add>, %mul3A_21, %reduce_sum3A_22 [1] : vector<2000x384xf32> to vector<2000xf32>
    %broadcast_in_dim3A_24 = vector.shape_cast %reduce_sum3A_23 : vector<2000xf32> to vector<2000x1xf32>
    %mul3A_25 = arith.constant 0.00386100379 : f32
    %mul3A_26 = vector.broadcast %mul3A_25 : f32 to vector<2000x1xf32>
    %mul3A_27 = arith.mulf %broadcast_in_dim3A_24, %mul3A_26 : vector<2000x1xf32>
    %mul3A_28 = arith.mulf %mul3A_20, %mul3A_20 : vector<2000x1xf32>
    %sub3A = arith.subf %mul3A_27, %mul3A_28 : vector<2000x1xf32>
    %add3A = arith.constant 9.99999974E-6 : f32
    %add3A_29 = vector.broadcast %add3A : f32 to vector<2000x1xf32>
    %add3A_30 = arith.addf %sub3A, %add3A_29 : vector<2000x1xf32>
    %rsqrt3A = math.rsqrt %add3A_30 : vector<2000x1xf32>
    %sub3A_31 = vector.broadcast %mul3A_20 : vector<2000x1xf32> to vector<2000x384xf32>
    %sub3A_32 = arith.subf %concatenate3A, %sub3A_31 : vector<2000x384xf32>
    %mul3A_33 = vector.broadcast %rsqrt3A : vector<2000x1xf32> to vector<2000x384xf32>
    %mul3A_34 = arith.mulf %sub3A_32, %mul3A_33 : vector<2000x384xf32>
    %get3A_35 = arith.constant 0 : index
    %get3A_36 = arith.constant 0 : index
    %get3A_37 = vector.load %arg6[%get3A_35, %get3A_36] : memref<1x384xf32, #tpu.memory_space<vmem>>, vector<1x384xf32>
    %mul3A_38 = vector.broadcast %get3A_37 : vector<1x384xf32> to vector<2000x384xf32>
    %mul3A_39 = arith.mulf %mul3A_34, %mul3A_38 : vector<2000x384xf32>
    %get3A_40 = arith.constant 0 : index
    %get3A_41 = arith.constant 0 : index
    %get3A_42 = vector.load %arg7[%get3A_40, %get3A_41] : memref<1x384xf32, #tpu.memory_space<vmem>>, vector<1x384xf32>
    %add3A_43 = vector.broadcast %get3A_42 : vector<1x384xf32> to vector<2000x384xf32>
    %add3A_44 = arith.addf %mul3A_39, %add3A_43 : vector<2000x384xf32>
    %get3A_45 = arith.constant 0 : index
    %get3A_46 = arith.constant 0 : index
    %get3A_47 = vector.load %arg8[%get3A_45, %get3A_46] : memref<384x128xf32, #tpu.memory_space<vmem>>, vector<384x128xf32>
    %dot_general3A_48 = arith.constant dense<0.000000e+00> : vector<2000x128xf32>
    %dot_general3A_49 = tpu.matmul %add3A_44, %get3A_47, %dot_general3A_48 {dimension_numbers = #tpu.dot_dimension_numbers<[1], [0], [0], [1], [0, 0, 1, 1], [], []>, transpose_lhs_hint = false} : vector<2000x384xf32>, vector<384x128xf32>, vector<2000x128xf32> -> vector<2000x128xf32>
    %reduce_max3A = arith.constant dense<0xFF800000> : vector<2000xf32>
    %reduce_max3A_50 = vector.multi_reduction <maximumf>, %dot_general3A_49, %reduce_max3A [1] : vector<2000x128xf32> to vector<2000xf32>
    %broadcast_in_dim3A_51 = vector.shape_cast %reduce_max3A_50 : vector<2000xf32> to vector<2000x1xf32>
    %sub3A_52 = vector.broadcast %broadcast_in_dim3A_51 : vector<2000x1xf32> to vector<2000x128xf32>
    %sub3A_53 = arith.subf %dot_general3A_49, %sub3A_52 : vector<2000x128xf32>
    %exp3A = math.exp %sub3A_53 : vector<2000x128xf32>
    %reduce_sum3A_54 = arith.constant dense<0.000000e+00> : vector<2000xf32>
    %reduce_sum3A_55 = vector.multi_reduction <add>, %exp3A, %reduce_sum3A_54 [1] : vector<2000x128xf32> to vector<2000xf32>
    %broadcast_in_dim3A_56 = vector.shape_cast %reduce_sum3A_55 : vector<2000xf32> to vector<2000x1xf32>
    %div3A = vector.broadcast %broadcast_in_dim3A_56 : vector<2000x1xf32> to vector<2000x128xf32>
    %div3A_57 = arith.divf %exp3A, %div3A : vector<2000x128xf32>
    %get3A_58 = arith.constant 0 : index
    %get3A_59 = arith.constant 0 : index
    %get3A_60 = vector.load %arg9[%get3A_58, %get3A_59] : memref<128x384xf32, #tpu.memory_space<vmem>>, vector<128x384xf32>
    %dot_general3A_61 = arith.constant dense<0.000000e+00> : vector<2000x384xf32>
    %dot_general3A_62 = tpu.matmul %div3A_57, %get3A_60, %dot_general3A_61 {dimension_numbers = #tpu.dot_dimension_numbers<[1], [0], [0], [1], [0, 0, 1, 1], [], []>, transpose_lhs_hint = false} : vector<2000x128xf32>, vector<128x384xf32>, vector<2000x384xf32> -> vector<2000x384xf32>
    %mul3A_63 = arith.constant 5.000000e-01 : f32
    %mul3A_64 = vector.broadcast %mul3A_63 : f32 to vector<2000x384xf32>
    %mul3A_65 = arith.mulf %mul3A_64, %dot_general3A_62 : vector<2000x384xf32>
    %mul3A_66 = arith.constant 5.000000e-01 : f32
    %mul3A_67 = vector.broadcast %mul3A_66 : f32 to vector<2000x384xf32>
    %mul3A_68 = arith.mulf %mul3A_67, %add3A_44 : vector<2000x384xf32>
    %add3A_69 = arith.addf %mul3A_65, %mul3A_68 : vector<2000x384xf32>
    %get3A_70 = arith.constant 0 : index
    %get3A_71 = arith.constant 0 : index
    %get3A_72 = vector.load %arg10[%get3A_70, %get3A_71] : memref<384x128xf32, #tpu.memory_space<vmem>>, vector<384x128xf32>
    %dot_general3A_73 = arith.constant dense<0.000000e+00> : vector<2000x128xf32>
    %dot_general3A_74 = tpu.matmul %add3A_69, %get3A_72, %dot_general3A_73 {dimension_numbers = #tpu.dot_dimension_numbers<[1], [0], [0], [1], [0, 0, 1, 1], [], []>, transpose_lhs_hint = false} : vector<2000x384xf32>, vector<384x128xf32>, vector<2000x128xf32> -> vector<2000x128xf32>
    %get3A_75 = arith.constant 0 : index
    %get3A_76 = arith.constant 0 : index
    %get3A_77 = vector.load %arg11[%get3A_75, %get3A_76] : memref<1x128xf32, #tpu.memory_space<vmem>>, vector<1x128xf32>
    %add3A_78 = vector.broadcast %get3A_77 : vector<1x128xf32> to vector<2000x128xf32>
    %add3A_79 = arith.addf %dot_general3A_74, %add3A_78 : vector<2000x128xf32>
    %max3A = arith.constant 0.000000e+00 : f32
    %max3A_80 = vector.broadcast %max3A : f32 to vector<2000x128xf32>
    %max3A_81 = arith.maximumf %add3A_79, %max3A_80 : vector<2000x128xf32>
    %get3A_82 = arith.constant 0 : index
    %get3A_83 = arith.constant 0 : index
    %get3A_84 = vector.load %arg12[%get3A_82, %get3A_83] : memref<128x128xf32, #tpu.memory_space<vmem>>, vector<128x128xf32>
    %dot_general3A_85 = arith.constant dense<0.000000e+00> : vector<2000x128xf32>
    %dot_general3A_86 = tpu.matmul %max3A_81, %get3A_84, %dot_general3A_85 {dimension_numbers = #tpu.dot_dimension_numbers<[1], [0], [0], [1], [0, 0, 1, 1], [], []>, transpose_lhs_hint = false} : vector<2000x128xf32>, vector<128x128xf32>, vector<2000x128xf32> -> vector<2000x128xf32>
    %get3A_87 = arith.constant 0 : index
    %get3A_88 = arith.constant 0 : index
    %get3A_89 = vector.load %arg13[%get3A_87, %get3A_88] : memref<1x128xf32, #tpu.memory_space<vmem>>, vector<1x128xf32>
    %add3A_90 = vector.broadcast %get3A_89 : vector<1x128xf32> to vector<2000x128xf32>
    %add3A_91 = arith.addf %dot_general3A_86, %add3A_90 : vector<2000x128xf32>
    %swap3A = arith.constant 0 : index
    %swap3A_92 = arith.constant 0 : index
    %swap3A_93 = vector.load %arg20[%swap3A, %swap3A_92] : memref<2000x128xf32, #tpu.memory_space<vmem>>, vector<2000x128xf32>
    tpu.vector_store %arg20[%swap3A, %swap3A_92], %add3A_91 {strides = array<i32>} : memref<2000x128xf32, #tpu.memory_space<vmem>>, vector<2000x128xf32>,
    %broadcast_in_dim3A_94 = arith.constant 1.000000e+00 : f32
    %broadcast_in_dim3A_95 = vector.broadcast %broadcast_in_dim3A_94 : f32 to vector<2000x128xf32>
    %get3A_96 = arith.constant 0 : index
    %get3A_97 = arith.constant 0 : index
    %get3A_98 = vector.load %arg22[%get3A_96, %get3A_97] : memref<256x128xf32, #tpu.memory_space<vmem>>, vector<256x128xf32>
    %dot_general3A_99 = arith.constant dense<0.000000e+00> : vector<256x128xf32>
    %dot_general3A_100 = tpu.matmul %convert_element_type3A_13, %add3A_91, %dot_general3A_99 {dimension_numbers = #tpu.dot_dimension_numbers<[0], [0], [1], [1], [0, 1, 1, 1], [], []>, transpose_lhs_hint = false} : vector<2000x256xf32>, vector<2000x128xf32>, vector<256x128xf32> -> vector<256x128xf32>
    %add3A_101 = arith.addf %get3A_98, %dot_general3A_100 : vector<256x128xf32>
    %swap3A_102 = arith.constant 0 : index
    %swap3A_103 = arith.constant 0 : index
    %swap3A_104 = vector.load %arg22[%swap3A_102, %swap3A_103] : memref<256x128xf32, #tpu.memory_space<vmem>>, vector<256x128xf32>
    tpu.vector_store %arg22[%swap3A_102, %swap3A_103], %add3A_101 {strides = array<i32>} : memref<256x128xf32, #tpu.memory_space<vmem>>, vector<256x128xf32>,
    %get3A_105 = arith.constant 0 : index
    %get3A_106 = arith.constant 0 : index
    %get3A_107 = vector.load %arg23[%get3A_105, %get3A_106] : memref<256x128xf32, #tpu.memory_space<vmem>>, vector<256x128xf32>
    %dot_general3A_108 = arith.constant dense<0.000000e+00> : vector<256x128xf32>
    %dot_general3A_109 = tpu.matmul %convert_element_type3A_13, %broadcast_in_dim3A_95, %dot_general3A_108 {dimension_numbers = #tpu.dot_dimension_numbers<[0], [0], [1], [1], [0, 1, 1, 1], [], []>, transpose_lhs_hint = false} : vector<2000x256xf32>, vector<2000x128xf32>, vector<256x128xf32> -> vector<256x128xf32>
    %add3A_110 = arith.addf %get3A_107, %dot_general3A_109 : vector<256x128xf32>
    %swap3A_111 = arith.constant 0 : index
    %swap3A_112 = arith.constant 0 : index
    %swap3A_113 = vector.load %arg23[%swap3A_111, %swap3A_112] : memref<256x128xf32, #tpu.memory_space<vmem>>, vector<256x128xf32>
    tpu.vector_store %arg23[%swap3A_111, %swap3A_112], %add3A_110 {strides = array<i32>} : memref<256x128xf32, #tpu.memory_space<vmem>>, vector<256x128xf32>,
    %get3A_114 = arith.constant 0 : index
    %get3A_115 = arith.constant 0 : index
    %get3A_116 = vector.load %arg24[%get3A_114, %get3A_115] : memref<256x128xf32, #tpu.memory_space<vmem>>, vector<256x128xf32>
    %dot_general3A_117 = arith.constant dense<0.000000e+00> : vector<256x128xf32>
    %dot_general3A_118 = tpu.matmul %convert_element_type3A_13, %get3A_6, %dot_general3A_117 {dimension_numbers = #tpu.dot_dimension_numbers<[0], [0], [1], [1], [0, 1, 1, 1], [], []>, transpose_lhs_hint = false} : vector<2000x256xf32>, vector<2000x128xf32>, vector<256x128xf32> -> vector<256x128xf32>
    %add3A_119 = arith.addf %get3A_116, %dot_general3A_118 : vector<256x128xf32>
    %swap3A_120 = arith.constant 0 : index
    %swap3A_121 = arith.constant 0 : index
    %swap3A_122 = vector.load %arg24[%swap3A_120, %swap3A_121] : memref<256x128xf32, #tpu.memory_space<vmem>>, vector<256x128xf32>
    tpu.vector_store %arg24[%swap3A_120, %swap3A_121], %add3A_119 {strides = array<i32>} : memref<256x128xf32, #tpu.memory_space<vmem>>, vector<256x128xf32>,
    %eq3A_123 = arith.constant 4 : i32
    %eq3A_124 = arith.cmpi eq, %arg0, %eq3A_123 : i32
    %convert_element_type3A_125 = arith.extui %eq3A_124 : i1 to i32
    %cond3A_126 = arith.constant 0 : i32
    %cond3A_127 = arith.cmpi ne, %convert_element_type3A_125, %cond3A_126 : i32
    scf.if %cond3A_127 {
      %get3A_128 = arith.constant 0 : index
      %get3A_129 = arith.constant 0 : index
      %get3A_130 = vector.load %arg3[%get3A_128, %get3A_129] : memref<1x256xf32, #tpu.memory_space<vmem>>, vector<1x256xf32>
      %iota3A_131 = tpu.iota {dimensions = array<i32: 0>} : vector<256x256xi32>
      %iota3A_132 = tpu.iota {dimensions = array<i32: 1>} : vector<256x256xi32>
      %eq3A_133 = arith.cmpi eq, %iota3A_132, %iota3A_131 : vector<256x256xi32>
      %convert_element_type3A_134 = arith.extui %eq3A_133 : vector<256x256xi1> to vector<256x256xi32>
      %convert_element_type3A_135 = arith.sitofp %convert_element_type3A_134 : vector<256x256xi32> to vector<256x256xf32>
      %add3A_136 = arith.constant 1 : i32
      %add3A_137 = vector.broadcast %add3A_136 : i32 to vector<256x256xi32>
      %add3A_138 = arith.addi %iota3A_131, %add3A_137 : vector<256x256xi32>
      %eq3A_139 = arith.cmpi eq, %iota3A_132, %add3A_138 : vector<256x256xi32>
      %convert_element_type3A_140 = arith.extui %eq3A_139 : vector<256x256xi1> to vector<256x256xi32>
      %convert_element_type3A_141 = arith.sitofp %convert_element_type3A_140 : vector<256x256xi32> to vector<256x256xf32>
      %sub3A_142 = arith.subf %convert_element_type3A_135, %convert_element_type3A_141 : vector<256x256xf32>
      %dot_general3A_143 = arith.constant dense<0.000000e+00> : vector<256x1xf32>
      %dot_general3A_144 = tpu.matmul %sub3A_142, %get3A_130, %dot_general3A_143 {dimension_numbers = #tpu.dot_dimension_numbers<[1], [1], [0], [0], [0, 0, 1, 0], [], []>, transpose_lhs_hint = false} : vector<256x256xf32>, vector<1x256xf32>, vector<256x1xf32> -> vector<256x1xf32>
      %get3A_145 = arith.constant 0 : index
      %get3A_146 = arith.constant 0 : index
      %get3A_147 = vector.load %arg22[%get3A_145, %get3A_146] : memref<256x128xf32, #tpu.memory_space<vmem>>, vector<256x128xf32>
      %get3A_148 = arith.constant 0 : index
      %get3A_149 = arith.constant 0 : index
      %get3A_150 = vector.load %arg23[%get3A_148, %get3A_149] : memref<256x128xf32, #tpu.memory_space<vmem>>, vector<256x128xf32>
      %max3A_151 = arith.constant 1.000000e+00 : f32
      %max3A_152 = vector.broadcast %max3A_151 : f32 to vector<256x128xf32>
      %max3A_153 = arith.maximumf %get3A_150, %max3A_152 : vector<256x128xf32>
      %div3A_154 = arith.divf %get3A_147, %max3A_153 : vector<256x128xf32>
      %get3A_155 = arith.constant 0 : index
      %get3A_156 = arith.constant 0 : index
      %get3A_157 = vector.load %arg24[%get3A_155, %get3A_156] : memref<256x128xf32, #tpu.memory_space<vmem>>, vector<256x128xf32>
      %max3A_158 = arith.constant 1.000000e+00 : f32
      %max3A_159 = vector.broadcast %max3A_158 : f32 to vector<256x1xf32>
      %max3A_160 = arith.maximumf %dot_general3A_144, %max3A_159 : vector<256x1xf32>
      %div3A_161 = vector.broadcast %max3A_160 : vector<256x1xf32> to vector<256x128xf32>
      %div3A_162 = arith.divf %get3A_157, %div3A_161 : vector<256x128xf32>
      %get3A_163 = arith.constant 0 : index
      %get3A_164 = arith.constant 0 : index
      %get3A_165 = vector.load %arg5[%get3A_163, %get3A_164] : memref<256x128xf32, #tpu.memory_space<vmem>>, vector<256x128xf32>
      %get3A_166 = arith.constant 0 : index
      %get3A_167 = arith.constant 0 : index
      %get3A_168 = vector.load %arg14[%get3A_166, %get3A_167] : memref<128x128xf32, #tpu.memory_space<vmem>>, vector<128x128xf32>
      %dot_general3A_169 = arith.constant dense<0.000000e+00> : vector<256x128xf32>
      %dot_general3A_170 = tpu.matmul %get3A_165, %get3A_168, %dot_general3A_169 {dimension_numbers = #tpu.dot_dimension_numbers<[1], [0], [0], [1], [0, 0, 1, 1], [], []>, transpose_lhs_hint = false} : vector<256x128xf32>, vector<128x128xf32>, vector<256x128xf32> -> vector<256x128xf32>
      %get3A_171 = arith.constant 0 : index
      %get3A_172 = arith.constant 0 : index
      %get3A_173 = vector.load %arg15[%get3A_171, %get3A_172] : memref<128x128xf32, #tpu.memory_space<vmem>>, vector<128x128xf32>
      %dot_general3A_174 = arith.constant dense<0.000000e+00> : vector<256x128xf32>
      %dot_general3A_175 = tpu.matmul %div3A_154, %get3A_173, %dot_general3A_174 {dimension_numbers = #tpu.dot_dimension_numbers<[1], [0], [0], [1], [0, 0, 1, 1], [], []>, transpose_lhs_hint = false} : vector<256x128xf32>, vector<128x128xf32>, vector<256x128xf32> -> vector<256x128xf32>
      %add3A_176 = arith.addf %dot_general3A_170, %dot_general3A_175 : vector<256x128xf32>
      %get3A_177 = arith.constant 0 : index
      %get3A_178 = arith.constant 0 : index
      %get3A_179 = vector.load %arg16[%get3A_177, %get3A_178] : memref<128x128xf32, #tpu.memory_space<vmem>>, vector<128x128xf32>
      %dot_general3A_180 = arith.constant dense<0.000000e+00> : vector<256x128xf32>
      %dot_general3A_181 = tpu.matmul %div3A_162, %get3A_179, %dot_general3A_180 {dimension_numbers = #tpu.dot_dimension_numbers<[1], [0], [0], [1], [0, 0, 1, 1], [], []>, transpose_lhs_hint = false} : vector<256x128xf32>, vector<128x128xf32>, vector<256x128xf32> -> vector<256x128xf32>
      %add3A_182 = arith.addf %add3A_176, %dot_general3A_181 : vector<256x128xf32>
      %get3A_183 = arith.constant 0 : index
      %get3A_184 = arith.constant 0 : index
      %get3A_185 = vector.load %arg17[%get3A_183, %get3A_184] : memref<1x128xf32, #tpu.memory_space<vmem>>, vector<1x128xf32>
      %add3A_186 = vector.broadcast %get3A_185 : vector<1x128xf32> to vector<256x128xf32>
      %add3A_187 = arith.addf %add3A_182, %add3A_186 : vector<256x128xf32>
      %max3A_188 = arith.constant 0.000000e+00 : f32
      %max3A_189 = vector.broadcast %max3A_188 : f32 to vector<256x128xf32>
      %max3A_190 = arith.maximumf %add3A_187, %max3A_189 : vector<256x128xf32>
      %get3A_191 = arith.constant 0 : index
      %get3A_192 = arith.constant 0 : index
      %get3A_193 = vector.load %arg18[%get3A_191, %get3A_192] : memref<128x128xf32, #tpu.memory_space<vmem>>, vector<128x128xf32>
      %dot_general3A_194 = arith.constant dense<0.000000e+00> : vector<256x128xf32>
      %dot_general3A_195 = tpu.matmul %max3A_190, %get3A_193, %dot_general3A_194 {dimension_numbers = #tpu.dot_dimension_numbers<[1], [0], [0], [1], [0, 0, 1, 1], [], []>, transpose_lhs_hint = false} : vector<256x128xf32>, vector<128x128xf32>, vector<256x128xf32> -> vector<256x128xf32>
      %get3A_196 = arith.constant 0 : index
      %get3A_197 = arith.constant 0 : index
      %get3A_198 = vector.load %arg19[%get3A_196, %get3A_197] : memref<1x128xf32, #tpu.memory_space<vmem>>, vector<1x128xf32>
      %add3A_199 = vector.broadcast %get3A_198 : vector<1x128xf32> to vector<256x128xf32>
      %add3A_200 = arith.addf %dot_general3A_195, %add3A_199 : vector<256x128xf32>
      %swap3A_201 = arith.constant 0 : index
      %swap3A_202 = arith.constant 0 : index
      %swap3A_203 = vector.load %arg21[%swap3A_201, %swap3A_202] : memref<256x128xf32, #tpu.memory_space<vmem>>, vector<256x128xf32>
      tpu.vector_store %arg21[%swap3A_201, %swap3A_202], %add3A_200 {strides = array<i32>} : memref<256x128xf32, #tpu.memory_space<vmem>>, vector<256x128xf32>,
    } else {
    }
    return
  }
  func.func @transform_0(%arg0: i32) -> (i32, i32) {
    %c0_i32 = arith.constant 0 : i32
    %c0_i32_0 = arith.constant 0 : i32
    return %arg0, %c0_i32 : i32, i32
  }
  func.func @transform_1(%arg0: i32) -> (i32, i32) {
    %c0_i32 = arith.constant 0 : i32
    %c0_i32_0 = arith.constant 0 : i32
    return %arg0, %c0_i32 : i32, i32
  }
  func.func @transform_2(%arg0: i32) -> (i32, i32) {
    %c0_i32 = arith.constant 0 : i32
    %c0_i32_0 = arith.constant 0 : i32
    %c0_i32_1 = arith.constant 0 : i32
    return %c0_i32, %c0_i32_0 : i32, i32
  }
  func.func @transform_3(%arg0: i32) -> (i32, i32) {
    %c0_i32 = arith.constant 0 : i32
    %c0_i32_0 = arith.constant 0 : i32
    return %arg0, %c0_i32 : i32, i32
  }
  func.func @transform_4(%arg0: i32) -> (i32, i32) {
    %c0_i32 = arith.constant 0 : i32
    %c0_i32_0 = arith.constant 0 : i32
    %c0_i32_1 = arith.constant 0 : i32
    return %c0_i32, %c0_i32_0 : i32, i32
  }
  func.func @transform_5(%arg0: i32) -> (i32, i32) {
    %c0_i32 = arith.constant 0 : i32
    %c0_i32_0 = arith.constant 0 : i32
    %c0_i32_1 = arith.constant 0 : i32
    return %c0_i32, %c0_i32_0 : i32, i32
  }
  func.func @transform_6(%arg0: i32) -> (i32, i32) {
    %c0_i32 = arith.constant 0 : i32
    %c0_i32_0 = arith.constant 0 : i32
    %c0_i32_1 = arith.constant 0 : i32
    return %c0_i32, %c0_i32_0 : i32, i32
  }
  func.func @transform_7(%arg0: i32) -> (i32, i32) {
    %c0_i32 = arith.constant 0 : i32
    %c0_i32_0 = arith.constant 0 : i32
    %c0_i32_1 = arith.constant 0 : i32
    return %c0_i32, %c0_i32_0 : i32, i32
  }
  func.func @transform_8(%arg0: i32) -> (i32, i32) {
    %c0_i32 = arith.constant 0 : i32
    %c0_i32_0 = arith.constant 0 : i32
    %c0_i32_1 = arith.constant 0 : i32
    return %c0_i32, %c0_i32_0 : i32, i32
  }
  func.func @transform_9(%arg0: i32) -> (i32, i32) {
    %c0_i32 = arith.constant 0 : i32
    %c0_i32_0 = arith.constant 0 : i32
    %c0_i32_1 = arith.constant 0 : i32
    return %c0_i32, %c0_i32_0 : i32, i32
  }
  func.func @transform_10(%arg0: i32) -> (i32, i32) {
    %c0_i32 = arith.constant 0 : i32
    %c0_i32_0 = arith.constant 0 : i32
    %c0_i32_1 = arith.constant 0 : i32
    return %c0_i32, %c0_i32_0 : i32, i32
  }
  func.func @transform_11(%arg0: i32) -> (i32, i32) {
    %c0_i32 = arith.constant 0 : i32
    %c0_i32_0 = arith.constant 0 : i32
    %c0_i32_1 = arith.constant 0 : i32
    return %c0_i32, %c0_i32_0 : i32, i32
  }
  func.func @transform_12(%arg0: i32) -> (i32, i32) {
    %c0_i32 = arith.constant 0 : i32
    %c0_i32_0 = arith.constant 0 : i32
    %c0_i32_1 = arith.constant 0 : i32
    return %c0_i32, %c0_i32_0 : i32, i32
  }
  func.func @transform_13(%arg0: i32) -> (i32, i32) {
    %c0_i32 = arith.constant 0 : i32
    %c0_i32_0 = arith.constant 0 : i32
    %c0_i32_1 = arith.constant 0 : i32
    return %c0_i32, %c0_i32_0 : i32, i32
  }
  func.func @transform_14(%arg0: i32) -> (i32, i32) {
    %c0_i32 = arith.constant 0 : i32
    %c0_i32_0 = arith.constant 0 : i32
    %c0_i32_1 = arith.constant 0 : i32
    return %c0_i32, %c0_i32_0 : i32, i32
  }
  func.func @transform_15(%arg0: i32) -> (i32, i32) {
    %c0_i32 = arith.constant 0 : i32
    %c0_i32_0 = arith.constant 0 : i32
    %c0_i32_1 = arith.constant 0 : i32
    return %c0_i32, %c0_i32_0 : i32, i32
  }
  func.func @transform_16(%arg0: i32) -> (i32, i32) {
    %c0_i32 = arith.constant 0 : i32
    %c0_i32_0 = arith.constant 0 : i32
    %c0_i32_1 = arith.constant 0 : i32
    return %c0_i32, %c0_i32_0 : i32, i32
  }
  func.func @transform_17(%arg0: i32) -> (i32, i32) {
    %c0_i32 = arith.constant 0 : i32
    %c0_i32_0 = arith.constant 0 : i32
    %c0_i32_1 = arith.constant 0 : i32
    return %c0_i32, %c0_i32_0 : i32, i32
  }
  func.func @transform_18(%arg0: i32) -> (i32, i32) {
    %c0_i32 = arith.constant 0 : i32
    %c0_i32_0 = arith.constant 0 : i32
    %c0_i32_1 = arith.constant 0 : i32
    return %c0_i32, %c0_i32_0 : i32, i32
  }
  func.func @transform_19(%arg0: i32) -> (i32, i32) {
    %c0_i32 = arith.constant 0 : i32
    %c0_i32_0 = arith.constant 0 : i32
    return %arg0, %c0_i32 : i32, i32
  }
  func.func @transform_20(%arg0: i32) -> (i32, i32) {
    %c0_i32 = arith.constant 0 : i32
    %c0_i32_0 = arith.constant 0 : i32
    %c0_i32_1 = arith.constant 0 : i32
    return %c0_i32, %c0_i32_0 : i32, i32
  }
}

</mosaic_0001>

<sc_bundles>
// kernel: kernel.10.cloned.1.call-start
scs
__scs_entry_jumppad:
0x0: {  	(pc) =	sbr.rel $0x88, $3  }
0x1: {  	(tag) =	ssettag $0x0;
	lr =	simm.s32 $0x1  }
0x2: {  	[smem:$0x3F8C] =	sst lr;
	_ =	strace $0xD0000000  }
0x3: {  	_ = 	snop  }
0x4: {  	_ = 	snop  }
0x5: {  	_ = 	snop  }
0x6: {  	_ = 	snop  }
0x7: {  	_ = 	snop  }
__scs_overlays_trampoline_lowered:
0x8: {  	[smem:$0x3F9B] =	sst s0  }
0x9: {  	[smem:$0x3F9C] =	sst s1  }
0xa: {  	[smem:$0x3F9D] =	sst s2  }
0xb: {  	[smem:$0x3F9E] =	sst s3  }
0xc: {  	[smem:$0x3F9F] =	sst s4  }
0xd: {  	[smem:$0x3FA0] =	sst s5  }
0xe: {  	[smem:$0x3FA1] =	sst s6  }
0xf: {  	[smem:$0x3FA2] =	sst s7  }
0x10: {  	[smem:$0x3FA3] =	sst s8  }
0x11: {  	[smem:$0x3FA4] =	sst s9;
	s0 =	simm.s32 @!p0 $0x0  }
0x12: {  	s1 =	sld [smem:$0x3F8A];
	s0 =	simm.s32 @p0 $0x1  }
0x13: {  	[smem:$0x3FA5] =	sst s0;
	s0 =	simm.s32 @!p1 $0x0  }
0x14: {  	s2 =	sld [smem:$0x3F89];
	s0 =	simm.s32 @p1 $0x1  }
0x15: {  	[smem:$0x3FA6] =	sst s0;
	s0 =	simm.s32 @!p2 $0x0  }
0x16: {  	s3 =	sld [smem:$0x3FDB];
	s0 =	simm.s32 @p2 $0x1  }
0x17: {  	s4 =	simm.s32 $0x1BF5;
	[smem:$0x3FA8] =	sst s0  }
0x18: {  	s0 =	sld [smem:$0x3F8B];
	_ =	swait.ge [sflag:s4], $0x0  }
0x19: {  	s7 =	sld [smem:$0x3F8C]  }
0x1a: {  	s8 =	sadd.s32 $0xFFFFE003, lr  }
0x1b: {  	s9 =	sadd.s32 $0xFFFFFEF7, lr;
	s5 =	simm.s32 $0xFFFFFFFF;
	p2 =	slt.u32 s8, $0xFFFFF086  }
0x1c: {  	p1 =	slt.u32 s9, $0xF7A;
	s5 =	simm.s32 @!p2 $0x0  }
0x1d: {  	s5 =	simm.s32 @p1 $0x1;
	p0 =	seq.s32 s7, s2  }
0x1e: {  	s7 =	smul.u32 @!p0 $0xF7A, s2;
	p2 =	seq.s32 @!p0 s5, $0x0  }
0x1f: {  	s9 =	smul.u32 $0xF7A, s1;
	s8 =	simm.s32 @!p0 $0x1BF5;
	p2 =	por !p2, p0  }
0x20: {  	[sflag:s8] =	ssyncset.s32 @!p0 $0xFFFFF086;
	s6 =	sadd.s32 @!p0 s3, s7;
	s7 =	simm.s32 @!p0 $0x108  }
0x21: {  	s3 =	sadd.s32 s3, s9;
	s6 =	sadd.s32 @!p0 $0x88, s6;
	s7 =	simm.s32 @p2 $0x1082  }
0x22: {  	[simem:s7], [sflag:s8] =	dma.local @!p0 [hbm:s6], $0xF7A  }
0x23: {  	s9 =	sor.u32 $0xD0000000, s2;
	s6 =	simm.s32 $0x108;
	_ =	swait.ge @!p0 [sflag:s8], $0x0  }
0x24: {  	s3 =	sadd.s32 $0x88, s3;
	s6 =	simm.s32 @!p1 $0x1082;
	[sflag:s4] =	ssyncset.s32 $0xFFFFF086  }
0x25: {  	[simem:s6], [sflag:s4] =	dma.local [hbm:s3], $0xF7A  }
0x26: {  	[smem:$0x3F8C] =	sst s1;
	(tag) =	ssettag s2;
	_ =	strace s9  }
0x27: {  	s1 =	sld [smem:$0x3F9C]  }
0x28: {  	s2 =	sld [smem:$0x3F9D]  }
0x29: {  	s4 =	sld [smem:$0x3F9F]  }
0x2a: {  	p0 =	seq.s32 s5, $0x0;
	s5 =	sld [smem:$0x3FA0]  }
0x2b: {  	s6 =	sld [smem:$0x3FA1]  }
0x2c: {  	s7 =	sld [smem:$0x3FA2]  }
0x2d: {  	s3 =	simm.s32 $0x108;
	s8 =	sld [smem:$0x3FA3]  }
0x2e: {  	s3 =	simm.s32 @!p0 $0x1082;
	s9 =	sld [smem:$0x3FA4]  }
0x2f: {  	lr =	sadd.s32 s0, s3;
	s0 =	sld [smem:$0x3F9B]  }
0x30: {  	s3 =	sld [smem:$0x3F9E]  }
0x31: {  	[smem:$0x3FA7] =	sst s10  }
0x32: {  	s10 =	sld [smem:$0x3FA5];
	_ =	sdelay $0x3  }
0x33: {  	p0 =	seq.s32 s10, $0x1;
	s10 =	sld [smem:$0x3FA7];
	_ =	sdelay $0x3  }
0x34: {  	[smem:$0x3FA7] =	sst s10  }
0x35: {  	s10 =	sld [smem:$0x3FA6];
	_ =	sdelay $0x3  }
0x36: {  	p1 =	seq.s32 s10, $0x1;
	s10 =	sld [smem:$0x3FA7];
	_ =	sdelay $0x3  }
0x37: {  	[smem:$0x3FA7] =	sst s10  }
0x38: {  	s10 =	sld [smem:$0x3FA8]  }
0x39: {  	_ = 	snop;
	(pc) =	sbr.ind lr, $3  }
0x3a: {  	_ = 	snop  }
0x3b: {  	_ = 	snop  }
0x3c: {  	p2 =	seq.s32 s10, $0x1;
	s10 =	sld [smem:$0x3FA7]  }
0x3d: {  	_ =	shalt  }
0x3e: {  	_ =	shalt  }
0x3f: {  	_ =	shalt  }
0x40: {  	_ =	shalt  }
0x41: {  	_ =	shalt  }
0x42: {  	_ =	shalt  }
0x43: {  	_ =	shalt  }
0x44: {  	_ =	shalt  }
0x45: {  	_ =	shalt  }
0x46: {  	_ =	shalt  }
0x47: {  	_ =	shalt  }
0x48: {  	_ =	shalt  }
0x49: {  	_ =	shalt  }
0x4a: {  	_ =	shalt  }
0x4b: {  	_ =	shalt  }
0x4c: {  	_ =	shalt  }
0x4d: {  	_ =	shalt  }
0x4e: {  	_ =	shalt  }
0x4f: {  	_ =	shalt  }
0x50: {  	_ =	shalt  }
0x51: {  	_ =	shalt  }
0x52: {  	_ =	shalt  }
0x53: {  	_ =	shalt  }
0x54: {  	_ =	shalt  }
0x55: {  	_ =	shalt  }
0x56: {  	_ =	shalt  }
0x57: {  	_ =	shalt  }
0x58: {  	_ =	shalt  }
0x59: {  	_ =	shalt  }
0x5a: {  	_ =	shalt  }
0x5b: {  	_ =	shalt  }
0x5c: {  	_ =	shalt  }
0x5d: {  	_ =	shalt  }
0x5e: {  	_ =	shalt  }
0x5f: {  	_ =	shalt  }
0x60: {  	_ =	shalt  }
0x61: {  	_ =	shalt  }
0x62: {  	_ =	shalt  }
0x63: {  	_ =	shalt  }
0x64: {  	_ =	shalt  }
0x65: {  	_ =	shalt  }
0x66: {  	_ =	shalt  }
0x67: {  	_ =	shalt  }
0x68: {  	_ =	shalt  }
0x69: {  	_ =	shalt  }
0x6a: {  	_ =	shalt  }
0x6b: {  	_ =	shalt  }
0x6c: {  	_ =	shalt  }
0x6d: {  	_ =	shalt  }
0x6e: {  	_ =	shalt  }
0x6f: {  	_ =	shalt  }
0x70: {  	_ =	shalt  }
0x71: {  	_ =	shalt  }
0x72: {  	_ =	shalt  }
0x73: {  	_ =	shalt  }
0x74: {  	_ =	shalt  }
0x75: {  	_ =	shalt  }
0x76: {  	_ =	shalt  }
0x77: {  	_ =	shalt  }
0x78: {  	_ =	shalt  }
0x79: {  	_ =	shalt  }
0x7a: {  	_ =	shalt  }
0x7b: {  	_ =	shalt  }
0x7c: {  	_ =	shalt  }
0x7d: {  	_ =	shalt  }
0x7e: {  	_ =	shalt  }
0x7f: {  	_ =	shalt  }
0x80: {  	_ =	shalt  }
0x81: {  	_ =	shalt  }
0x82: {  	_ =	shalt  }
0x83: {  	_ =	shalt  }
0x84: {  	_ =	shalt  }
0x85: {  	_ =	shalt  }
0x86: {  	_ =	shalt  }
0x87: {  	_ =	shalt  }
.Lfunc_end0:
.L_simem_size_0:
called_computation.1_lowered:
.L_overlay_start_0:
0x88: {  	s2 =	sld [smem:$0x3FD9]  }
0x89: {  	s3 =	sld [smem:$0x3FFE];
	_ =	sdelay $0x1  }
0x8a: {  	s1 =	srdreg.scid  }
0x8b: {  	s0 =	sand.u32 $0x1, s1  }
0x8c: {  	s14 =	sshll.u32 s0, $0xA;
	s2 =	sadd.s32 s3, s2  }
0x8d: {  	s2 =	sadd.s32 s2, s14  }
0x8e: {  	[smem:$0x3FB3] =	sst s2  }
0x8f: {  	_ = 	snop  }
0x90: {  	s2 =	sld [smem:$0x3FD0];
	_ =	sdelay $0x2  }
0x91: {  	s15 =	simm.s32 $0xA;
	s4 =	simm.s32 $0x10  }
0x92: {  	[smem:s4], [sflag:s15] =	dma.local [hbm:s2], $0x1  }
0x93: {  	_ =	swait.eq [sflag:s15], $0x1  }
0x94: {  	[sflag:s15] =	ssyncset.done $0x0  }
0x95: {  	s16 =	sld [smem:$0x10];
	[sflag:s15] =	ssyncadd.s32 $0xFFFFFFFF  }
0x96: {  	s17 =	sld [smem:$0x11];
	(tm) =	ssettm $0x1  }
0x97: {  	s18 =	sld [smem:$0x3FFB];
	_ =	sdelay $0x3  }
0x98: {  	_ =	strace s18  }
0x99: {  	s4 =	sld [smem:$0x3FFC];
	_ =	sdelay $0x3  }
0x9a: {  	_ =	strace s4  }
0x9b: {  	s4 =	sld [smem:$0x3FFD];
	_ =	sdelay $0x3  }
0x9c: {  	_ =	strace s4  }
0x9d: {  	_ =	strace $0x8FFFFFFF  }
0x9e: {  	s19 =	sld [smem:$0x3FDB];
	_ =	sdelay $0x1  }
0x9f: {  	s5 =	simm.s32 $_scs_section_size  }
0xa0: {  	s6 =	simm.s32 $_size__tile_overlayer_lowered;
	s7 =	simm.s32 $_tile_overlayer_lowered  }
0xa1: {  	s22 =	simm.s32 $0x1BFF;
	s21 =	sshll.u32 s7, $0x1;
	s4 =	sadd.s32 s5, s19  }
0xa2: {  	s8 =	simm.s32 $0x0;
	s20 =	sshll.u32 s6, $0x1;
	s6 =	sadd.s32 s21, s4  }
0xa3: {  	[timem:s8], [sflag:s22] =	dma.local [hbm:s6], s20  }
0xa4: {  	_ =	swait.ge [sflag:s22], s20  }
0xa5: {  	s5 =	ssub.s32 $0x0, s20;
	[sflag:s22] =	ssyncset.done $0x0  }
0xa6: {  	[sflag:s22] =	ssyncadd.s32 s5;
	_ =	sdelay $0x1  }
0xa7: {  	s23 =	simm.s32 $0x1B8B  }
0xa8: {  	_ =	swait.ge [sflag:s23], $0x1  }
0xa9: {  	[sflag:s23] =	ssyncset.done $0x0  }
0xaa: {  	s25 =	simm.s32 $0x1B8E;
	s24 =	sld [smem:$0x3FFE];
	[sflag:s23] =	ssyncadd.s32 $0xFFFFFFFF  }
0xab: {  	s26 =	simm.s32 $execute0_lowered;
	[smem:$0x3FD2] =	sst s25  }
0xac: {  	s6 =	sshll.u32 s26, $0x1;
	_ =	strace $0x80000049;
	[dreg:$0x1] =	wrdreg $0xFFFFFFFF  }
0xad: {  	s28 =	simm.s32 $_size_execute0_lowered;
	s4 =	sadd.s32 s4, s6;
	[dreg:$0x0] =	wrdreg $0x0  }
0xae: {  	s6 =	sshll.u32 s28, $0x1;
	[dreg:$0x2] =	wrdreg s4  }
0xaf: {  	[dreg:$0x3] =	wrdreg s6  }
0xb0: {  	[dreg:$0x4] =	wrdreg $0xC0  }
0xb1: {  	_ =	task [dreg:s8], $0x5FFFF  }
0xb2: {  	[dreg:$0x1] =	wrdreg $0xFFFFFFFF  }
0xb3: {  	[dreg:$0x0] =	wrdreg $0x60  }
0xb4: {  	[dreg:$0x2] =	wrdreg s17  }
0xb5: {  	[dreg:$0x3] =	wrdreg s24  }
0xb6: {  	[dreg:$0x4] =	wrdreg s16  }
0xb7: {  	[dreg:$0x5] =	wrdreg $0x8C800  }
0xb8: {  	[dreg:$0x6] =	wrdreg $0x9  }
0xb9: {  	_ =	task.clear_ibuf [dreg:s8], $0x7FFFF;
	_ =	strace $0x90000049  }
0xba: {  	s29 =	simm.s32 $0x9;
	_ =	strace $0x8000004B  }
0xbb: {  	_ =	swait.ge [sflag:s29], $0x1  }
0xbc: {  	[sflag:s29] =	ssyncadd.s32 $0xFFFFFFFF  }
0xbd: {  	_ =	strace $0x9000004B  }
0xbe: {  	_ =	sfence  }
0xbf: {  	s30 =	sld [smem:$0x0];
	_ =	sdelay $0x2  }
0xc0: {  	s31 =	sshll.u32 s1, $0xD;
	s1 =	sshrl.u32 s1, $0x2  }
0xc1: {  	s3 =	sand.u32 $0x4000, s31;
	s1 =	sadd.s32 s1, s30  }
0xc2: {  	s0 =	sor.u32 s3, s0;
	s1 =	sshll.u32 s1, $0x11  }
0xc3: {  	s0 =	sor.u32 s1, s0  }
0xc4: {  	s0 =	sadd.s32 $0x8F2B, s0  }
0xc5: {  	[sflag:s0] =	ssyncadd.remote.s32 $0x1  }
0xc6: {  	_ =	sfence.sel $0xFFFF  }
0xc7: {  	[dreg:$0x0] =	wrdreg $0xFFFFFFFF;
	(pc) =	sbr.abs _section_cstart, $3  }
0xc8: {  	[dreg:$0x1] =	wrdreg $0xFFFFFFFF  }
0xc9: {  	_ =	task.clear_ibuf [dreg:s8], $0x2FFFF;
	_ =	strace $0x9FFFFFFF  }
0xca: {  	(tm) =	ssettm $0x7FFFFFFF  }
0xcb: {  	_ =	shalt  }
tec
execute0_lowered:
.L_overlay_start_1:
0x0: {  	(tag) =	ssettag $0x1  }
0x1: {  	s9 =	rddreg [dreg:$0x0]  }
0x2: {  	s4 =	rddreg [dreg:$0x1]  }
0x3: {  	s7 =	rddreg [dreg:$0x2]  }
0x4: {  	s0 =	stileid.u32;
	s1 =	srdreg.scid  }
0x5: {  	s2 =	rddreg [dreg:$0x3];
	s5 =	smul.u32 $0x9C4, s0  }
0x6: {  	s3 =	simm.s32 $0x0;
	s15 =	simm.s32 $0x0;
	s8 =	smul.u32 $0x19000, s0  }
0x7: {  	s6 =	sand.u32 $0x1, s1;
	s1 =	rddreg [dreg:$0x4];
	s26 =	smul.u32 $0xC8, s0  }
0x8: {  	[smem:$0x7FF] =	sst s3;
	s10 =	sor.u32 $0x10, s0;
	s31 =	smul.u32 $0x4E200, s0  }
0x9: {  	p0 =	sgt.u32 s0, $0x9;
	p1 =	sgt.u32 s0, $0x8;
	s14 =	smul.u32 $0x1388, s6  }
0xa: {  	_ =	strace $0x8000004A;
	s11 =	smul.u32 $0x19000, s10;
	s25 =	ssub.s32 $0x2, s6  }
0xb: {  	s10 =	smul.u32 $0xC8, s10;
	s12 =	sadd.s32 s5, s4;
	s28 =	sshrl.u32 s25, $0x1  }
0xc: {  	s8 =	sshrl.u32 s8, $0x2;
	s9 =	sadd.s32 s31, s9;
	s13 =	ssub.s32 s25, s28  }
0xd: {  	s4 =	sadd.s32 s8, s2;
	s29 =	sshrl.u32 s11, $0x2;
	s6 =	sadd.s32 s26, s14  }
0xe: {  	s30 =	sadd.s32 s14, s10;
	s10 =	sadd.s32 $0x3FC00, s12;
	s11 =	simm.s32 $0x2880  }
0xf: {  	s12 =	simm.s32 $0x1;
	v0 =	vmov s14;
	s14 =	simm.s32 $0x50;
	s6 =	sshll.u32 s6, $0x4  }
0x10: {  	s5 =	sadd.s32 s29, s2;
	s8 =	sshll.u32 s30, $0x4;
	s6 =	sadd.s32 s7, s6  }
0x11: {  	v1 =	vimm.f32 $0.0e+00;
	s7 =	sadd.s32 s7, s8;
	s8 =	smax.u32 s13, $0x1;
	s13 =	simm.s32 $0x80  }
.LBB2_1:
0x12: {  	s16 =	simm.s32 $0x0;
	s17 =	simm.s32 $0x200  }
.LBB2_2:
0x13: {  	p2 =	sne.s32 s17, $0x18E00;
	[tilespmem:s16+$0x28F0] =	vst v1  }
0x14: {  	[tilespmem:s16+$0x2880] =	vst v1  }
0x15: {  	[tilespmem:s16+$0x2890] =	vst v1  }
.Ltmp0:
0x16: {  	[tilespmem:s16+$0x28A0] =	vst v1;
	(pc) =	sbr.rel @p2 .LBB2_2-.Ltmp0, $4  }
0x17: {  	[tilespmem:s16+$0x28B0] =	vst v1  }
0x18: {  	[tilespmem:s16+$0x28C0] =	vst v1  }
0x19: {  	[tilespmem:s16+$0x28D0] =	vst v1  }
0x1a: {  	[tilespmem:s16+$0x28E0] =	vst v1;
	s16 =	sshra.s32 s17, $0x2;
	s17 =	sadd.s32 $0x200, s17  }
0x1b: {  	[tilespmem:s16+$0x28F0] =	vst v1  }
0x1c: {  	[tilespmem:s16+$0x2880] =	vst v1  }
0x1d: {  	[tilespmem:s16+$0x2890] =	vst v1  }
0x1e: {  	[tilespmem:s16+$0x28A0] =	vst v1  }
0x1f: {  	[tilespmem:s16+$0x28B0] =	vst v1  }
0x20: {  	[tilespmem:s16+$0x28C0] =	vst v1  }
0x21: {  	[tilespmem:s16+$0x28D0] =	vst v1  }
0x22: {  	[tilespmem:s16+$0x28E0] =	vst v1  }
0x23: {  	[spmem:s4] =	stream.linear.scatter [tilespmem:s11], [sflag:$0x1], $0x6400, $0x38;
	[tilespmem:$0x12F00] =	vst v63  }
0x24: {  	_ =	swait.ge [sflag:s12], $0x6400  }
0x25: {  	[sflag:s12] =	ssyncset.done $0x0  }
0x26: {  	s16 =	simm.s32 @!p0 $0x2880;
	[sflag:s12] =	ssyncadd.s32 $0xFFFF9C00  }
0x27: {  	[spmem:s5] =	stream.linear.scatter @!p0 [tilespmem:s16], [sflag:$0x1], $0x6400, $0x38;
	[tilespmem:$0x12F00] =	vst v63  }
0x28: {  	s16 =	simm.s32 @!p0 $0x1  }
0x29: {  	_ =	swait.ge @!p0 [sflag:s16], $0x6400  }
0x2a: {  	[sflag:s16] =	ssyncset.done @!p0 $0x0  }
0x2b: {  	[sflag:s16] =	ssyncadd.s32 @!p0 $0xFFFF9C00  }
0x2c: {  	s31 =	sadd.s32 $0x0, s10;
	[bflag:$0x0] =	sbarrier.arrive $0xFFFF  }
0x2d: {  	[tilespmem:s3], [sflag:$0x1] =	stream.linear.gather [hbm4b:s31+s3], $0x50, $0x38;
	[tilespmem:$0x12F00] =	vst v63  }
0x2e: {  	_ =	swait.ge [sflag:s12], $0x50  }
0x2f: {  	[sflag:s12] =	ssyncset.done $0x0  }
0x30: {  	[sflag:s12] =	ssyncadd.s32 $0xFFFFFFB0  }
0x31: {  	[tilespmem:s13], [sflag:$0x1] =	stream.linear.gather [hbm4b:s9+s3], $0x2800, $0x38;
	[tilespmem:$0x12F00] =	vst v63  }
0x32: {  	_ =	swait.ge [sflag:s12], $0x2800  }
0x33: {  	[sflag:s12] =	ssyncset.done $0x0  }
0x34: {  	[sflag:s12] =	ssyncadd.s32 $0xFFFFD800  }
0x35: {  	v2 =	vld [tilespmem:$0x40]  }
0x36: {  	v3 =	vld [tilespmem:$0x30]  }
0x37: {  	v4 =	vld [tilespmem:$0x20]  }
0x38: {  	v5 =	vld [tilespmem:$0x10]  }
0x39: {  	v6 =	vld [tilespmem:$0x0]  }
0x3a: {  	v2 =	vsub.s32 v2, v0  }
0x3b: {  	v3 =	vsub.s32 v3, v0;
	v2 =	vmin.u32 v2, $0x1388  }
0x3c: {  	v4 =	vsub.s32 v4, v0;
	v3 =	vmin.u32 v3, $0x1388;
	[tilespmem:$0x40] =	vst v2  }
0x3d: {  	v4 =	vmin.u32 v4, $0x1388;
	v2 =	vsub.s32 v5, v0;
	[tilespmem:$0x30] =	vst v3  }
0x3e: {  	v3 =	vsub.s32 v6, v0;
	[tilespmem:$0x20] =	vst v4;
	v5 =	vmin.u32 v2, $0x1388  }
0x3f: {  	s17 =	smov.u32 s9;
	s16 =	simm.s32 $0xA;
	v2 =	vmin.u32 v3, $0x1388;
	[tilespmem:$0x10] =	vst v5  }
.LBB2_4:
0x40: {  	p2 =	sne.s32 s16, $0x9BA  }
0x41: {  	[tilespmem:$0x0] =	vst v2;
	s17 =	sadd.s32 $0x500, s17;
	s18 =	smov.u32 s16;
	s16 =	sadd.s32 $0xA, s16  }
0x42: {  	[spmem:s2] =	stream.indirect.scatter.add.f32 [tilespmem:s13], [sflag:$0x1], $0x80, s3, s14, $0xb8;
	[tilespmem:$0x12F00] =	vst v63  }
0x43: {  	_ =	swait.ge [sflag:s12], $0x2800  }
0x44: {  	[sflag:s12] =	ssyncset.done $0x0  }
0x45: {  	s18 =	sadd.s32 s18, s10;
	[sflag:s12] =	ssyncadd.s32 $0xFFFFD800  }
0x46: {  	[tilespmem:s3], [sflag:$0x1] =	stream.linear.gather [hbm4b:s18+s3], $0x50, $0x38;
	[tilespmem:$0x12F00] =	vst v63  }
0x47: {  	_ =	swait.ge [sflag:s12], $0x50  }
0x48: {  	[sflag:s12] =	ssyncset.done $0x0  }
0x49: {  	[sflag:s12] =	ssyncadd.s32 $0xFFFFFFB0  }
0x4a: {  	[tilespmem:s13], [sflag:$0x1] =	stream.linear.gather [hbm4b:s17+s3], $0x2800, $0x38;
	[tilespmem:$0x12F00] =	vst v63  }
0x4b: {  	_ =	swait.ge [sflag:s12], $0x2800  }
0x4c: {  	[sflag:s12] =	ssyncset.done $0x0  }
0x4d: {  	[sflag:s12] =	ssyncadd.s32 $0xFFFFD800  }
0x4e: {  	v2 =	vld [tilespmem:$0x40]  }
0x4f: {  	v3 =	vld [tilespmem:$0x30]  }
0x50: {  	v4 =	vld [tilespmem:$0x20]  }
0x51: {  	v5 =	vld [tilespmem:$0x10]  }
0x52: {  	v6 =	vld [tilespmem:$0x0]  }
0x53: {  	v2 =	vsub.s32 v2, v0  }
.Ltmp1:
0x54: {  	v3 =	vsub.s32 v3, v0;
	v2 =	vmin.u32 v2, $0x1388;
	(pc) =	sbr.rel @p2 .LBB2_4-.Ltmp1, $4  }
0x55: {  	v4 =	vsub.s32 v4, v0;
	v3 =	vmin.u32 v3, $0x1388;
	[tilespmem:$0x40] =	vst v2  }
0x56: {  	v2 =	vsub.s32 v5, v0;
	v4 =	vmin.u32 v4, $0x1388;
	[tilespmem:$0x30] =	vst v3  }
0x57: {  	v3 =	vsub.s32 v6, v0;
	v5 =	vmin.u32 v2, $0x1388;
	[tilespmem:$0x20] =	vst v4  }
0x58: {  	v2 =	vmin.u32 v3, $0x1388;
	[tilespmem:$0x10] =	vst v5  }
0x59: {  	[tilespmem:$0x0] =	vst v2  }
0x5a: {  	[spmem:s2] =	stream.indirect.scatter.add.f32 [tilespmem:s13], [sflag:$0x1], $0x80, s3, s14, $0xb8;
	[tilespmem:$0x12F00] =	vst v63  }
0x5b: {  	_ =	swait.ge [sflag:s12], $0x2800  }
0x5c: {  	[sflag:s12] =	ssyncset.done $0x0  }
0x5d: {  	[sflag:s12] =	ssyncadd.s32 $0xFFFFD800  }
0x5e: {  	[bflag:$0x0] =	sbarrier.arrive $0xFFFF  }
0x5f: {  	[tilespmem:s11], [sflag:$0x1] =	stream.linear.gather [spmem:s4], $0x6400, $0x38;
	[tilespmem:$0x12F00] =	vst v63  }
0x60: {  	_ =	swait.ge [sflag:s12], $0x6400  }
0x61: {  	[sflag:s12] =	ssyncset.done $0x0  }
0x62: {  	[sflag:s12] =	ssyncadd.s32 $0xFFFF9C00  }
0x63: {  	[hbm4b:s6+s3] =	stream.linear.scatter [tilespmem:s11], [sflag:$0x1], $0x6400, $0x38;
	[tilespmem:$0x12F00] =	vst v63  }
0x64: {  	_ =	swait.ge [sflag:s12], $0x6400  }
0x65: {  	[sflag:s12] =	ssyncset.done $0x0  }
0x66: {  	s16 =	simm.s32 @!p1 $0x2880;
	s17 =	simm.s32 @!p1 $0x1;
	[sflag:s12] =	ssyncadd.s32 $0xFFFF9C00  }
0x67: {  	[tilespmem:s16], [sflag:$0x1] =	stream.linear.gather @!p1 [spmem:s5], $0x6400, $0x38;
	[tilespmem:$0x12F00] =	vst v63  }
0x68: {  	s15 =	sadd.s32 $0x1, s15;
	_ =	swait.ge @!p1 [sflag:s17], $0x6400  }
0x69: {  	p2 =	sne.s32 s15, s8;
	[sflag:s17] =	ssyncset.done @!p1 $0x0  }
.Ltmp2:
0x6a: {  	s18 =	simm.s32 @!p1 $0x0;
	[sflag:s17] =	ssyncadd.s32 @!p1 $0xFFFF9C00;
	(pc) =	sbr.rel @p2 .LBB2_1-.Ltmp2, $4  }
0x6b: {  	[hbm4b:s7+s18] =	stream.linear.scatter @!p1 [tilespmem:s16], [sflag:$0x1], $0x6400, $0x38;
	[tilespmem:$0x12F00] =	vst v63  }
0x6c: {  	_ =	swait.ge @!p1 [sflag:s17], $0x6400  }
0x6d: {  	[sflag:s17] =	ssyncset.done @!p1 $0x0  }
0x6e: {  	[sflag:s17] =	ssyncadd.s32 @!p1 $0xFFFF9C00  }
0x6f: {  	_ =	sfence.sel $0x180000  }
0x70: {  	[bflag:$0x0] =	sbarrier.arrive $0xFFFF  }
0x71: {  	p0 =	sne.s32 s0, $0x0;
	_ =	strace $0x9000004A  }
0x72: {  	s0 =	sadd.s32 @!p0 $0x100000, s1;
	[bflag:$0x2] =	sbarrier.arrive $0xFFFF  }
0x73: {  	[sflag:s0] =	ssyncadd.tile.s32 @!p0 $0x1;
	_ =	shalt  }
.Lfunc_end2:
_tile_overlayer_lowered:
.L_overlay_start_2:
0x74: {  	(tag) =	ssettag $0x2  }
0x75: {  	s0 =	rddreg [dreg:$0x0];
	s2 =	stileid.u32  }
0x76: {  	s1 =	rddreg [dreg:$0x1];
	p0 =	sne.s32 s2, $0x0  }
0x77: {  	s3 =	rddreg [dreg:$0x2];
	[bflag:$0x3] =	sbarrier.arrive $0xFFFF;
	s2 =	simm.s32 @!p0 $0x1C01  }
0x78: {  	[timem:s3], [sflag:s2] =	dma.local @!p0 [hbm:s0], s1  }
0x79: {  	s0 =	simm.s32 @!p0 $0x1  }
0x7a: {  	_ =	swait.ge @!p0 [sflag:s0], s1  }
0x7b: {  	s1 =	ssub.s32 @!p0 $0x0, s1;
	[sflag:s0] =	ssyncset.done @!p0 $0x0  }
0x7c: {  	[sflag:s0] =	ssyncadd.s32 @!p0 s1  }
0x7d: {  	[bflag:$0x3] =	sbarrier.arrive $0xFFFF  }
0x7e: {  	_ =	shalt  }

// kernel: kernel.7.cloned.1.call-start
scs
__scs_entry_jumppad:
0x0: {  	(pc) =	sbr.rel $0x88, $3  }
0x1: {  	(tag) =	ssettag $0x0;
	lr =	simm.s32 $0x1  }
0x2: {  	[smem:$0x3F8C] =	sst lr;
	_ =	strace $0xD0000000  }
0x3: {  	_ = 	snop  }
0x4: {  	_ = 	snop  }
0x5: {  	_ = 	snop  }
0x6: {  	_ = 	snop  }
0x7: {  	_ = 	snop  }
__scs_overlays_trampoline_lowered:
0x8: {  	[smem:$0x3F9B] =	sst s0  }
0x9: {  	[smem:$0x3F9C] =	sst s1  }
0xa: {  	[smem:$0x3F9D] =	sst s2  }
0xb: {  	[smem:$0x3F9E] =	sst s3  }
0xc: {  	[smem:$0x3F9F] =	sst s4  }
0xd: {  	[smem:$0x3FA0] =	sst s5  }
0xe: {  	[smem:$0x3FA1] =	sst s6  }
0xf: {  	[smem:$0x3FA2] =	sst s7  }
0x10: {  	[smem:$0x3FA3] =	sst s8  }
0x11: {  	[smem:$0x3FA4] =	sst s9;
	s0 =	simm.s32 @!p0 $0x0  }
0x12: {  	s1 =	sld [smem:$0x3F8A];
	s0 =	simm.s32 @p0 $0x1  }
0x13: {  	[smem:$0x3FA5] =	sst s0;
	s0 =	simm.s32 @!p1 $0x0  }
0x14: {  	s2 =	sld [smem:$0x3F89];
	s0 =	simm.s32 @p1 $0x1  }
0x15: {  	[smem:$0x3FA6] =	sst s0;
	s0 =	simm.s32 @!p2 $0x0  }
0x16: {  	s3 =	sld [smem:$0x3FDB];
	s0 =	simm.s32 @p2 $0x1  }
0x17: {  	s4 =	simm.s32 $0x1BF5;
	[smem:$0x3FA8] =	sst s0  }
0x18: {  	s0 =	sld [smem:$0x3F8B];
	_ =	swait.ge [sflag:s4], $0x0  }
0x19: {  	s7 =	sld [smem:$0x3F8C]  }
0x1a: {  	s8 =	sadd.s32 $0xFFFFE003, lr  }
0x1b: {  	s9 =	sadd.s32 $0xFFFFFEF7, lr;
	s5 =	simm.s32 $0xFFFFFFFF;
	p2 =	slt.u32 s8, $0xFFFFF086  }
0x1c: {  	p1 =	slt.u32 s9, $0xF7A;
	s5 =	simm.s32 @!p2 $0x0  }
0x1d: {  	s5 =	simm.s32 @p1 $0x1;
	p0 =	seq.s32 s7, s2  }
0x1e: {  	s7 =	smul.u32 @!p0 $0xF7A, s2;
	p2 =	seq.s32 @!p0 s5, $0x0  }
0x1f: {  	s9 =	smul.u32 $0xF7A, s1;
	s8 =	simm.s32 @!p0 $0x1BF5;
	p2 =	por !p2, p0  }
0x20: {  	[sflag:s8] =	ssyncset.s32 @!p0 $0xFFFFF086;
	s6 =	sadd.s32 @!p0 s3, s7;
	s7 =	simm.s32 @!p0 $0x108  }
0x21: {  	s3 =	sadd.s32 s3, s9;
	s6 =	sadd.s32 @!p0 $0x88, s6;
	s7 =	simm.s32 @p2 $0x1082  }
0x22: {  	[simem:s7], [sflag:s8] =	dma.local @!p0 [hbm:s6], $0xF7A  }
0x23: {  	s9 =	sor.u32 $0xD0000000, s2;
	s6 =	simm.s32 $0x108;
	_ =	swait.ge @!p0 [sflag:s8], $0x0  }
0x24: {  	s3 =	sadd.s32 $0x88, s3;
	s6 =	simm.s32 @!p1 $0x1082;
	[sflag:s4] =	ssyncset.s32 $0xFFFFF086  }
0x25: {  	[simem:s6], [sflag:s4] =	dma.local [hbm:s3], $0xF7A  }
0x26: {  	[smem:$0x3F8C] =	sst s1;
	(tag) =	ssettag s2;
	_ =	strace s9  }
0x27: {  	s1 =	sld [smem:$0x3F9C]  }
0x28: {  	s2 =	sld [smem:$0x3F9D]  }
0x29: {  	s4 =	sld [smem:$0x3F9F]  }
0x2a: {  	p0 =	seq.s32 s5, $0x0;
	s5 =	sld [smem:$0x3FA0]  }
0x2b: {  	s6 =	sld [smem:$0x3FA1]  }
0x2c: {  	s7 =	sld [smem:$0x3FA2]  }
0x2d: {  	s3 =	simm.s32 $0x108;
	s8 =	sld [smem:$0x3FA3]  }
0x2e: {  	s3 =	simm.s32 @!p0 $0x1082;
	s9 =	sld [smem:$0x3FA4]  }
0x2f: {  	lr =	sadd.s32 s0, s3;
	s0 =	sld [smem:$0x3F9B]  }
0x30: {  	s3 =	sld [smem:$0x3F9E]  }
0x31: {  	[smem:$0x3FA7] =	sst s10  }
0x32: {  	s10 =	sld [smem:$0x3FA5];
	_ =	sdelay $0x3  }
0x33: {  	p0 =	seq.s32 s10, $0x1;
	s10 =	sld [smem:$0x3FA7];
	_ =	sdelay $0x3  }
0x34: {  	[smem:$0x3FA7] =	sst s10  }
0x35: {  	s10 =	sld [smem:$0x3FA6];
	_ =	sdelay $0x3  }
0x36: {  	p1 =	seq.s32 s10, $0x1;
	s10 =	sld [smem:$0x3FA7];
	_ =	sdelay $0x3  }
0x37: {  	[smem:$0x3FA7] =	sst s10  }
0x38: {  	s10 =	sld [smem:$0x3FA8]  }
0x39: {  	_ = 	snop;
	(pc) =	sbr.ind lr, $3  }
0x3a: {  	_ = 	snop  }
0x3b: {  	_ = 	snop  }
0x3c: {  	p2 =	seq.s32 s10, $0x1;
	s10 =	sld [smem:$0x3FA7]  }
0x3d: {  	_ =	shalt  }
0x3e: {  	_ =	shalt  }
0x3f: {  	_ =	shalt  }
0x40: {  	_ =	shalt  }
0x41: {  	_ =	shalt  }
0x42: {  	_ =	shalt  }
0x43: {  	_ =	shalt  }
0x44: {  	_ =	shalt  }
0x45: {  	_ =	shalt  }
0x46: {  	_ =	shalt  }
0x47: {  	_ =	shalt  }
0x48: {  	_ =	shalt  }
0x49: {  	_ =	shalt  }
0x4a: {  	_ =	shalt  }
0x4b: {  	_ =	shalt  }
0x4c: {  	_ =	shalt  }
0x4d: {  	_ =	shalt  }
0x4e: {  	_ =	shalt  }
0x4f: {  	_ =	shalt  }
0x50: {  	_ =	shalt  }
0x51: {  	_ =	shalt  }
0x52: {  	_ =	shalt  }
0x53: {  	_ =	shalt  }
0x54: {  	_ =	shalt  }
0x55: {  	_ =	shalt  }
0x56: {  	_ =	shalt  }
0x57: {  	_ =	shalt  }
0x58: {  	_ =	shalt  }
0x59: {  	_ =	shalt  }
0x5a: {  	_ =	shalt  }
0x5b: {  	_ =	shalt  }
0x5c: {  	_ =	shalt  }
0x5d: {  	_ =	shalt  }
0x5e: {  	_ =	shalt  }
0x5f: {  	_ =	shalt  }
0x60: {  	_ =	shalt  }
0x61: {  	_ =	shalt  }
0x62: {  	_ =	shalt  }
0x63: {  	_ =	shalt  }
0x64: {  	_ =	shalt  }
0x65: {  	_ =	shalt  }
0x66: {  	_ =	shalt  }
0x67: {  	_ =	shalt  }
0x68: {  	_ =	shalt  }
0x69: {  	_ =	shalt  }
0x6a: {  	_ =	shalt  }
0x6b: {  	_ =	shalt  }
0x6c: {  	_ =	shalt  }
0x6d: {  	_ =	shalt  }
0x6e: {  	_ =	shalt  }
0x6f: {  	_ =	shalt  }
0x70: {  	_ =	shalt  }
0x71: {  	_ =	shalt  }
0x72: {  	_ =	shalt  }
0x73: {  	_ =	shalt  }
0x74: {  	_ =	shalt  }
0x75: {  	_ =	shalt  }
0x76: {  	_ =	shalt  }
0x77: {  	_ =	shalt  }
0x78: {  	_ =	shalt  }
0x79: {  	_ =	shalt  }
0x7a: {  	_ =	shalt  }
0x7b: {  	_ =	shalt  }
0x7c: {  	_ =	shalt  }
0x7d: {  	_ =	shalt  }
0x7e: {  	_ =	shalt  }
0x7f: {  	_ =	shalt  }
0x80: {  	_ =	shalt  }
0x81: {  	_ =	shalt  }
0x82: {  	_ =	shalt  }
0x83: {  	_ =	shalt  }
0x84: {  	_ =	shalt  }
0x85: {  	_ =	shalt  }
0x86: {  	_ =	shalt  }
0x87: {  	_ =	shalt  }
.Lfunc_end0:
.L_simem_size_0:
called_computation_lowered:
.L_overlay_start_0:
0x88: {  	s2 =	sld [smem:$0x3FD9]  }
0x89: {  	s3 =	sld [smem:$0x3FFE];
	_ =	sdelay $0x1  }
0x8a: {  	s1 =	srdreg.scid  }
0x8b: {  	s0 =	sand.u32 $0x1, s1  }
0x8c: {  	s14 =	sshll.u32 s0, $0xA;
	s2 =	sadd.s32 s3, s2  }
0x8d: {  	s2 =	sadd.s32 s2, s14  }
0x8e: {  	[smem:$0x3FB3] =	sst s2  }
0x8f: {  	_ = 	snop  }
0x90: {  	s2 =	sld [smem:$0x3FD0];
	_ =	sdelay $0x2  }
0x91: {  	s15 =	simm.s32 $0xA;
	s4 =	simm.s32 $0x10  }
0x92: {  	[smem:s4], [sflag:s15] =	dma.local [hbm:s2], $0x1  }
0x93: {  	_ =	swait.eq [sflag:s15], $0x1  }
0x94: {  	[sflag:s15] =	ssyncset.done $0x0  }
0x95: {  	s16 =	sld [smem:$0x10];
	[sflag:s15] =	ssyncadd.s32 $0xFFFFFFFF  }
0x96: {  	s17 =	sld [smem:$0x11];
	(tm) =	ssettm $0x1  }
0x97: {  	s18 =	sld [smem:$0x3FFB];
	_ =	sdelay $0x3  }
0x98: {  	_ =	strace s18  }
0x99: {  	s4 =	sld [smem:$0x3FFC];
	_ =	sdelay $0x3  }
0x9a: {  	_ =	strace s4  }
0x9b: {  	s4 =	sld [smem:$0x3FFD];
	_ =	sdelay $0x3  }
0x9c: {  	_ =	strace s4  }
0x9d: {  	_ =	strace $0x8FFFFFFF  }
0x9e: {  	s19 =	sld [smem:$0x3FDB];
	_ =	sdelay $0x1  }
0x9f: {  	s5 =	simm.s32 $_scs_section_size  }
0xa0: {  	s6 =	simm.s32 $_size__tile_overlayer_lowered;
	s7 =	simm.s32 $_tile_overlayer_lowered  }
0xa1: {  	s22 =	simm.s32 $0x1BFF;
	s21 =	sshll.u32 s7, $0x1;
	s4 =	sadd.s32 s5, s19  }
0xa2: {  	s8 =	simm.s32 $0x0;
	s20 =	sshll.u32 s6, $0x1;
	s6 =	sadd.s32 s21, s4  }
0xa3: {  	[timem:s8], [sflag:s22] =	dma.local [hbm:s6], s20  }
0xa4: {  	_ =	swait.ge [sflag:s22], s20  }
0xa5: {  	s5 =	ssub.s32 $0x0, s20;
	[sflag:s22] =	ssyncset.done $0x0  }
0xa6: {  	[sflag:s22] =	ssyncadd.s32 s5;
	_ =	sdelay $0x1  }
0xa7: {  	s23 =	simm.s32 $0x1B8B  }
0xa8: {  	_ =	swait.ge [sflag:s23], $0x1  }
0xa9: {  	[sflag:s23] =	ssyncset.done $0x0  }
0xaa: {  	s25 =	simm.s32 $0x1B8E;
	s24 =	sld [smem:$0x3FFE];
	[sflag:s23] =	ssyncadd.s32 $0xFFFFFFFF  }
0xab: {  	s26 =	simm.s32 $execute0_lowered;
	[smem:$0x3FD2] =	sst s25  }
0xac: {  	s6 =	sshll.u32 s26, $0x1;
	_ =	strace $0x80000046;
	[dreg:$0x1] =	wrdreg $0xFFFFFFFF  }
0xad: {  	s28 =	simm.s32 $_size_execute0_lowered;
	s4 =	sadd.s32 s4, s6;
	[dreg:$0x0] =	wrdreg $0x0  }
0xae: {  	s6 =	sshll.u32 s28, $0x1;
	[dreg:$0x2] =	wrdreg s4  }
0xaf: {  	[dreg:$0x3] =	wrdreg s6  }
0xb0: {  	[dreg:$0x4] =	wrdreg $0xC0  }
0xb1: {  	_ =	task [dreg:s8], $0x5FFFF  }
0xb2: {  	[dreg:$0x1] =	wrdreg $0xFFFFFFFF  }
0xb3: {  	[dreg:$0x0] =	wrdreg $0x60  }
0xb4: {  	[dreg:$0x2] =	wrdreg s16  }
0xb5: {  	[dreg:$0x3] =	wrdreg s17  }
0xb6: {  	[dreg:$0x4] =	wrdreg s24  }
0xb7: {  	[dreg:$0x5] =	wrdreg $0x9  }
0xb8: {  	_ =	task.clear_ibuf [dreg:s8], $0x6FFFF;
	_ =	strace $0x90000046  }
0xb9: {  	s29 =	simm.s32 $0x9;
	_ =	strace $0x80000048  }
0xba: {  	_ =	swait.ge [sflag:s29], $0x1  }
0xbb: {  	[sflag:s29] =	ssyncadd.s32 $0xFFFFFFFF  }
0xbc: {  	_ =	strace $0x90000048  }
0xbd: {  	_ =	sfence  }
0xbe: {  	s30 =	sld [smem:$0x0];
	_ =	sdelay $0x2  }
0xbf: {  	s31 =	sshll.u32 s1, $0xD;
	s1 =	sshrl.u32 s1, $0x2  }
0xc0: {  	s3 =	sand.u32 $0x4000, s31;
	s1 =	sadd.s32 s1, s30  }
0xc1: {  	s0 =	sor.u32 s3, s0;
	s1 =	sshll.u32 s1, $0x11  }
0xc2: {  	s0 =	sor.u32 s1, s0  }
0xc3: {  	s0 =	sadd.s32 $0x8F2B, s0  }
0xc4: {  	[sflag:s0] =	ssyncadd.remote.s32 $0x1  }
0xc5: {  	_ =	sfence.sel $0xFFFF  }
0xc6: {  	[dreg:$0x0] =	wrdreg $0xFFFFFFFF;
	(pc) =	sbr.abs _section_cstart, $3  }
0xc7: {  	[dreg:$0x1] =	wrdreg $0xFFFFFFFF  }
0xc8: {  	_ =	task.clear_ibuf [dreg:s8], $0x2FFFF;
	_ =	strace $0x9FFFFFFF  }
0xc9: {  	(tm) =	ssettm $0x7FFFFFFF  }
tec
execute0_lowered:
.L_overlay_start_1:
0x0: {  	(tag) =	ssettag $0x1  }
0x1: {  	s1 =	rddreg [dreg:$0x0]  }
0x2: {  	s3 =	rddreg [dreg:$0x1]  }
0x3: {  	s5 =	rddreg [dreg:$0x2]  }
0x4: {  	s0 =	rddreg [dreg:$0x3];
	s6 =	srdreg.scid  }
0x5: {  	s2 =	stileid.u32;
	s4 =	simm.s32 $0x0;
	s11 =	simm.s32 $0x50  }
0x6: {  	s12 =	simm.s32 $0x100;
	s13 =	simm.s32 $0x1;
	s7 =	smul.u32 $0x4E20, s2  }
0x7: {  	s14 =	simm.s32 $0x0;
	s6 =	sand.u32 $0x1, s6;
	s9 =	smul.u32 $0x4E200, s2  }
0x8: {  	[smem:$0x7FF] =	sst s4;
	s8 =	smul.u32 $0x2710, s6;
	s10 =	ssub.s32 $0x2, s6  }
0x9: {  	_ =	strace $0x80000047;
	s6 =	smul.u32 $0x27100, s6;
	s30 =	sshrl.u32 s10, $0x1  }
0xa: {  	s9 =	sadd.s32 s9, s5;
	s7 =	sadd.s32 s8, s7;
	s8 =	ssub.s32 s10, s30  }
0xb: {  	s6 =	sadd.s32 s6, s9;
	s9 =	simm.s32 $0x2;
	s7 =	sshrl.u32 s7, $0x3  }
0xc: {  	s10 =	simm.s32 $0x80;
	s6 =	sadd.s32 $0x49C00, s6;
	s31 =	sadd.s32 s7, s5  }
0xd: {  	s5 =	smax.u32 s8, $0x1;
	s7 =	sadd.s32 $0x3FC00, s31;
	s8 =	sadd.s32 $0x35E00, s31  }
.LBB2_1:
0xe: {  	s15 =	sadd.s32 $0x0, s8  }
0xf: {  	[tilespmem:s4], [sflag:$0x2] =	stream.linear.gather [hbm4b:s15+s4], $0x50, $0x38;
	[tilespmem:$0x2900] =	vst v63  }
0x10: {  	_ =	swait.ge [sflag:s9], $0x50  }
0x11: {  	[sflag:s9] =	ssyncset.done $0x0  }
0x12: {  	s31 =	sadd.s32 $0x0, s7;
	[sflag:s9] =	ssyncadd.s32 $0xFFFFFFB0  }
0x13: {  	[tilespmem:s10], [sflag:$0x2] =	stream.linear.gather [hbm4b:s31+s4], $0x50, $0x38;
	[tilespmem:$0x2900] =	vst v63  }
0x14: {  	_ =	swait.ge [sflag:s9], $0x50  }
0x15: {  	[sflag:s9] =	ssyncset.done $0x0  }
0x16: {  	[sflag:s9] =	ssyncadd.s32 $0xFFFFFFB0  }
0x17: {  	[tilespmem:s12], [sflag:$0x1] =	stream.indirect.gather [hbm4b:s1+s11], $0x80, s4, s11, $0xb8;
	[tilespmem:$0x2900] =	vst v63  }
0x18: {  	_ =	swait.ge [sflag:s13], $0x2800  }
0x19: {  	[sflag:s13] =	ssyncset.done $0x0  }
0x1a: {  	[sflag:s13] =	ssyncadd.s32 $0xFFFFD800  }
0x1b: {  	[tilespmem:s12], [sflag:$0x2] =	stream.indirect.gather.add.f32 [hbm:s3], $0x80, s10, s11, $0xb8;
	[tilespmem:$0x2900] =	vst v63  }
0x1c: {  	_ =	swait.ge [sflag:s9], $0x2800  }
0x1d: {  	[sflag:s9] =	ssyncset.done $0x0  }
0x1e: {  	[sflag:s9] =	ssyncadd.s32 $0xFFFFD800  }
0x1f: {  	[hbm4b:s6+s4] =	stream.linear.scatter [tilespmem:s12], [sflag:$0x2], $0x2800, $0x38;
	[tilespmem:$0x2900] =	vst v63  }
0x20: {  	s16 =	simm.s32 $0xA;
	_ =	swait.ge [sflag:s9], $0x2800  }
0x21: {  	s17 =	simm.s32 $0x14;
	s15 =	sadd.s32 $0x500, s6;
	[sflag:s9] =	ssyncset.done $0x0  }
.LBB2_2:
0x22: {  	s18 =	sadd.s32 s16, s8  }
0x23: {  	[sflag:s9] =	ssyncadd.s32 $0xFFFFD800;
	s19 =	smov.u32 s17;
	s20 =	sadd.s32 $0xA, s17  }
0x24: {  	[tilespmem:s4], [sflag:$0x2] =	stream.linear.gather [hbm4b:s18+s4], $0x50, $0x38;
	[tilespmem:$0x2900] =	vst v63  }
0x25: {  	p0 =	sne.s32 s17, $0x4D8;
	_ =	swait.ge [sflag:s9], $0x50  }
0x26: {  	[sflag:s9] =	ssyncset.done $0x0  }
0x27: {  	s17 =	sadd.s32 s16, s7;
	s16 =	smov.u32 s19;
	[sflag:s9] =	ssyncadd.s32 $0xFFFFFFB0  }
0x28: {  	[tilespmem:s10], [sflag:$0x2] =	stream.linear.gather [hbm4b:s17+s4], $0x50, $0x38;
	[tilespmem:$0x2900] =	vst v63  }
0x29: {  	_ =	swait.ge [sflag:s9], $0x50  }
0x2a: {  	[sflag:s9] =	ssyncset.done $0x0  }
0x2b: {  	[sflag:s9] =	ssyncadd.s32 $0xFFFFFFB0  }
0x2c: {  	[tilespmem:s12], [sflag:$0x1] =	stream.indirect.gather [hbm4b:s1+s11], $0x80, s4, s11, $0xb8;
	[tilespmem:$0x2900] =	vst v63  }
0x2d: {  	_ =	swait.ge [sflag:s13], $0x2800  }
0x2e: {  	[sflag:s13] =	ssyncset.done $0x0  }
0x2f: {  	[sflag:s13] =	ssyncadd.s32 $0xFFFFD800  }
0x30: {  	[tilespmem:s12], [sflag:$0x2] =	stream.indirect.gather.add.f32 [hbm:s3], $0x80, s10, s11, $0xb8;
	[tilespmem:$0x2900] =	vst v63  }
0x31: {  	_ =	swait.ge [sflag:s9], $0x2800  }
.Ltmp0:
0x32: {  	[sflag:s9] =	ssyncset.done $0x0;
	(pc) =	sbr.rel @p0 .LBB2_2-.Ltmp0, $4  }
0x33: {  	[sflag:s9] =	ssyncadd.s32 $0xFFFFD800  }
0x34: {  	[hbm4b:s15+s4] =	stream.linear.scatter [tilespmem:s12], [sflag:$0x2], $0x2800, $0x38;
	[tilespmem:$0x2900] =	vst v63  }
0x35: {  	_ =	swait.ge [sflag:s9], $0x2800  }
0x36: {  	s17 =	smov.u32 s20;
	s15 =	sadd.s32 $0x500, s15;
	[sflag:s9] =	ssyncset.done $0x0  }
0x37: {  	s17 =	sadd.s32 s16, s8;
	[sflag:s9] =	ssyncadd.s32 $0xFFFFD800  }
0x38: {  	[tilespmem:s4], [sflag:$0x2] =	stream.linear.gather [hbm4b:s17+s4], $0x50, $0x38;
	[tilespmem:$0x2900] =	vst v63  }
0x39: {  	_ =	swait.ge [sflag:s9], $0x50  }
0x3a: {  	[sflag:s9] =	ssyncset.done $0x0  }
0x3b: {  	s31 =	sadd.s32 s16, s7;
	[sflag:s9] =	ssyncadd.s32 $0xFFFFFFB0  }
0x3c: {  	[tilespmem:s10], [sflag:$0x2] =	stream.linear.gather [hbm4b:s31+s4], $0x50, $0x38;
	[tilespmem:$0x2900] =	vst v63  }
0x3d: {  	_ =	swait.ge [sflag:s9], $0x50  }
0x3e: {  	[sflag:s9] =	ssyncset.done $0x0  }
0x3f: {  	[sflag:s9] =	ssyncadd.s32 $0xFFFFFFB0  }
0x40: {  	[tilespmem:s12], [sflag:$0x1] =	stream.indirect.gather [hbm4b:s1+s11], $0x80, s4, s11, $0xb8;
	[tilespmem:$0x2900] =	vst v63  }
0x41: {  	_ =	swait.ge [sflag:s13], $0x2800  }
0x42: {  	[sflag:s13] =	ssyncset.done $0x0  }
0x43: {  	[sflag:s13] =	ssyncadd.s32 $0xFFFFD800  }
0x44: {  	[tilespmem:s12], [sflag:$0x2] =	stream.indirect.gather.add.f32 [hbm:s3], $0x80, s10, s11, $0xb8;
	[tilespmem:$0x2900] =	vst v63  }
0x45: {  	s14 =	sadd.s32 $0x1, s14;
	_ =	swait.ge [sflag:s9], $0x2800  }
0x46: {  	p0 =	sne.s32 s14, s5;
	[sflag:s9] =	ssyncset.done $0x0  }
.Ltmp1:
0x47: {  	[sflag:s9] =	ssyncadd.s32 $0xFFFFD800;
	(pc) =	sbr.rel @p0 .LBB2_1-.Ltmp1, $4  }
0x48: {  	[hbm4b:s15+s4] =	stream.linear.scatter [tilespmem:s12], [sflag:$0x2], $0x2800, $0x38;
	[tilespmem:$0x2900] =	vst v63  }
0x49: {  	_ =	swait.ge [sflag:s9], $0x2800  }
0x4a: {  	[sflag:s9] =	ssyncset.done $0x0  }
0x4b: {  	[sflag:s9] =	ssyncadd.s32 $0xFFFFD800  }
0x4c: {  	_ =	sfence.sel $0x180000  }
0x4d: {  	[bflag:$0x0] =	sbarrier.arrive $0xFFFF  }
0x4e: {  	p0 =	sne.s32 s2, $0x0;
	_ =	strace $0x90000047  }
0x4f: {  	s0 =	sadd.s32 @!p0 $0x100000, s0;
	[bflag:$0x2] =	sbarrier.arrive $0xFFFF  }
0x50: {  	[sflag:s0] =	ssyncadd.tile.s32 @!p0 $0x1;
	_ =	shalt  }
.Lfunc_end2:
_tile_overlayer_lowered:
.L_overlay_start_2:
0x51: {  	(tag) =	ssettag $0x2  }
0x52: {  	s0 =	rddreg [dreg:$0x0];
	s2 =	stileid.u32  }
0x53: {  	s1 =	rddreg [dreg:$0x1];
	p0 =	sne.s32 s2, $0x0  }
0x54: {  	s3 =	rddreg [dreg:$0x2];
	[bflag:$0x3] =	sbarrier.arrive $0xFFFF;
	s2 =	simm.s32 @!p0 $0x1C02  }
0x55: {  	[timem:s3], [sflag:s2] =	dma.local @!p0 [hbm:s0], s1  }
0x56: {  	s0 =	simm.s32 @!p0 $0x2  }
0x57: {  	_ =	swait.ge @!p0 [sflag:s0], s1  }
0x58: {  	s1 =	ssub.s32 @!p0 $0x0, s1;
	[sflag:s0] =	ssyncset.done @!p0 $0x0  }
0x59: {  	[sflag:s0] =	ssyncadd.s32 @!p0 s1  }
0x5a: {  	[bflag:$0x3] =	sbarrier.arrive $0xFFFF  }
0x5b: {  	_ =	shalt  }

</sc_bundles>
